<compile_context>
chip_gen: v7x
topology: tpu7x:2x2x1
jax: 0.10.2.dev20260603
libtpu: 0.0.44.dev20260713+nightly
codegen_flags: <defaults>
</compile_context>

<pallas_src>
import functools
import math

import jax
import jax.numpy as jnp
from jax import lax
from jax.experimental import pallas as pl
from jax.experimental.pallas import tpu as pltpu
from jax.experimental.pallas import tpu_sc as plsc

Q = 8192
M = 50000
CDIM = 32
HID = 128
EMB = 93
K = 8
RADIUS2 = 0.08 ** 2
N_SURFACE = 16

BQ = 256
MT = 2048
NT = 25
MPAD = MT * NT
TD = 32
INTMAX = 0x7FFFFFFF


def _knn_body(p_ref, ct_ref, idx_ref, d_ref, cnt_ref):
    p = p_ref[...]
    p2 = jnp.sum(p * p, axis=1, keepdims=True)
    pb = p.astype(jnp.bfloat16)

    BIG = 1e30

    def tile_body(t, carry):
        scr_k, scr_i, cnt = carry
        ct = ct_ref[:, pl.ds(t * MT, MT)]
        c2 = jnp.sum(ct * ct, axis=0, keepdims=True)
        s = lax.dot_general(pb, ct.astype(jnp.bfloat16),
                            dimension_numbers=(((1,), (0,)), ((), ())),
                            preferred_element_type=jnp.float32)
        dv = p2 - 2.0 * s + c2
        inr = dv <= RADIUS2
        cnt = cnt + jnp.sum(inr.astype(jnp.int32), axis=1, keepdims=True)
        key = jnp.where(inr, dv, BIG)
        gidxf = ((t * MT).astype(jnp.float32)
                 + lax.broadcasted_iota(jnp.int32, (BQ, MT), 1
                                        ).astype(jnp.float32))
        kcols, icols = [], []
        for _ in range(K):
            m = jnp.min(key, axis=1, keepdims=True)
            sel = key == m
            mi = jnp.min(jnp.where(sel, gidxf, 2.0 * BIG),
                         axis=1, keepdims=True)
            key = jnp.where(gidxf == mi, BIG, key)
            kcols.append(m)
            icols.append(mi)
        bk = jnp.concatenate([scr_k] + kcols, axis=1)
        bi = jnp.concatenate([scr_i] + icols, axis=1)
        nk, ni = [], []
        for _ in range(K):
            m = jnp.min(bk, axis=1, keepdims=True)
            sel = bk == m
            mi = jnp.min(jnp.where(sel, bi, 2.0 * BIG), axis=1, keepdims=True)
            nk.append(m)
            ni.append(mi)
            bk = jnp.where(sel & (bi == mi), BIG, bk)
        return jnp.concatenate(nk, axis=1), jnp.concatenate(ni, axis=1), cnt

    scr_k0 = jnp.full((BQ, K), BIG, jnp.float32)
    scr_i0 = jnp.full((BQ, K), 2.0 * BIG, jnp.float32)
    cnt0 = jnp.zeros((BQ, 1), jnp.int32)
    scr_k, scr_i, cnt = lax.fori_loop(0, NT, tile_body, (scr_k0, scr_i0, cnt0))
    idx_ref[...] = jnp.minimum(scr_i, float(M - 1)).astype(jnp.int32)
    d_ref[...] = scr_k
    cnt_ref[...] = cnt


def _knn_call(p, cloud_t):
    grid = (Q // BQ,)
    return pl.pallas_call(
        _knn_body,
        grid=grid,
        in_specs=[
            pl.BlockSpec((BQ, 3), lambda i: (i, 0)),
            pl.BlockSpec((3, MPAD), lambda i: (0, 0)),
        ],
        out_specs=[
            pl.BlockSpec((BQ, K), lambda i: (i, 0)),
            pl.BlockSpec((BQ, K), lambda i: (i, 0)),
            pl.BlockSpec((BQ, 1), lambda i: (i, 0)),
        ],
        out_shape=[
            jax.ShapeDtypeStruct((Q, K), jnp.int32),
            jax.ShapeDtypeStruct((Q, K), jnp.float32),
            jax.ShapeDtypeStruct((Q, 1), jnp.int32),
        ],
        compiler_params=pltpu.CompilerParams(
            dimension_semantics=("parallel",)),
    )(p, cloud_t)


def _sc_gather(table, idx):
    info = plsc.get_sparse_core_info()
    nw = info.num_cores * info.num_subcores
    b = Q * K
    bpw = b // nw
    mesh = plsc.VectorSubcoreMesh(core_axis_name="c", subcore_axis_name="s")

    @functools.partial(
        pl.kernel, mesh=mesh,
        out_type=jax.ShapeDtypeStruct((b, TD), jnp.float32),
        compiler_params=pltpu.CompilerParams(use_tc_tiling_on_sc=False),
        scratch_types=[
            pltpu.VMEM((bpw,), jnp.int32),
            pltpu.VMEM((bpw, TD), jnp.float32),
            pltpu.SemaphoreType.DMA,
        ],
    )
    def gather_kernel(table_hbm, idx_hbm, out_hbm, idx_v, rows_v, sem):
        wid = lax.axis_index("s") * info.num_cores + lax.axis_index("c")
        base = wid * bpw
        pltpu.sync_copy(idx_hbm.at[pl.ds(base, bpw)], idx_v)
        pltpu.async_copy(table_hbm.at[idx_v], rows_v, sem).wait()
        pltpu.sync_copy(rows_v, out_hbm.at[pl.ds(base, bpw)])

    return gather_kernel(table, idx)


def _mm(a, b):
    return lax.dot_general(a.astype(jnp.bfloat16), b.astype(jnp.bfloat16),
                           dimension_numbers=(((1,), (0,)), ((), ())),
                           preferred_element_type=jnp.float32)


def _decode_body(p_ref, g_ref, d_ref, cnt_ref, noise_ref, bpts_ref,
                 w0_ref, w1_ref, w2_ref, w3a_ref, w3b_ref, w4_ref,
                 wc0_ref, wc1_ref, wc2_ref, wc3_ref, wc4_ref,
                 b0_ref, b1_ref, b2_ref, b3_ref, b4_ref,
                 bc0_ref, bc1_ref, bc2_ref, bc3_ref, bc4_ref,
                 wo_ref, bo_ref,
                 out_ref, has_ref, vrm_ref):
    p = p_ref[...]
    feats = g_ref[...].reshape(BQ, K, TD)
    cnt = cnt_ref[...]
    d = jnp.maximum(d_ref[...], 0.0)

    kk = lax.broadcasted_iota(jnp.int32, (BQ, K), 1)
    valid = (kk < jnp.minimum(cnt, K)) & (d <= RADIUS2)
    w = jnp.where(valid, 1.0 / (d + 1e-10), 0.0)
    wsum = jnp.sum(w, axis=1, keepdims=True)
    wn = w / jnp.maximum(wsum, 1e-12)
    c = jnp.sum(feats * wn[:, :, None], axis=1)
    has = cnt >= 2
    c = jnp.where(has, c, noise_ref[0:1, :])

    e = jnp.sin((2.0 * math.pi) * _mm(p, bpts_ref[...]))
    h = jnp.maximum(_mm(e, w0_ref[...]) + b0_ref[...], 0.0)
    h = h + _mm(c, wc0_ref[...]) + bc0_ref[...]
    h = jnp.maximum(_mm(h, w1_ref[...]) + b1_ref[...], 0.0)
    h = h + _mm(c, wc1_ref[...]) + bc1_ref[...]
    h = jnp.maximum(_mm(h, w2_ref[...]) + b2_ref[...], 0.0)
    h = h + _mm(c, wc2_ref[...]) + bc2_ref[...]
    h = jnp.maximum(_mm(e, w3a_ref[...]) + _mm(h, w3b_ref[...])
                    + b3_ref[...], 0.0)
    h = h + _mm(c, wc3_ref[...]) + bc3_ref[...]
    h = jnp.maximum(_mm(h, w4_ref[...]) + b4_ref[...], 0.0)
    h = h + _mm(c, wc4_ref[...]) + bc4_ref[...]
    out_ref[...] = _mm(h, wo_ref[...]) + bo_ref[...]

    has_i = has.astype(jnp.int32)
    has_ref[...] = has_i
    vrm_ref[...] = jnp.sum(has_i.reshape(BQ // N_SURFACE, N_SURFACE),
                           axis=1, keepdims=True)


def _decode_call(p, gathered, d8, cnt, noise_t, b_pts, ws, bs2, wcs, bcs2, wo, bo2):
    grid = (Q // BQ,)
    qspec = pl.BlockSpec((BQ, 3), lambda i: (i, 0))
    gspec = pl.BlockSpec((BQ * K, TD), lambda i: (i, 0))
    dspec = pl.BlockSpec((BQ, K), lambda i: (i, 0))
    cspec = pl.BlockSpec((BQ, 1), lambda i: (i, 0))

    def whole(shape):
        return pl.BlockSpec(shape, lambda i: tuple(0 for _ in shape))

    in_specs = ([qspec, gspec, dspec, cspec,
                 whole(noise_t.shape), whole(b_pts.shape)]
                + [whole(w.shape) for w in ws]
                + [whole(w.shape) for w in wcs]
                + [whole(b.shape) for b in bs2]
                + [whole(b.shape) for b in bcs2]
                + [whole(wo.shape), whole(bo2.shape)])
    return pl.pallas_call(
        _decode_body,
        grid=grid,
        in_specs=in_specs,
        out_specs=[
            pl.BlockSpec((BQ, 1), lambda i: (i, 0)),
            pl.BlockSpec((BQ, 1), lambda i: (i, 0)),
            pl.BlockSpec((BQ // N_SURFACE, 1), lambda i: (i, 0)),
        ],
        out_shape=[
            jax.ShapeDtypeStruct((Q, 1), jnp.float32),
            jax.ShapeDtypeStruct((Q, 1), jnp.int32),
            jax.ShapeDtypeStruct((Q // N_SURFACE, 1), jnp.int32),
        ],
        compiler_params=pltpu.CompilerParams(
            dimension_semantics=("parallel",)),
    )(p, gathered, d8, cnt, noise_t, b_pts, *ws, *wcs, *bs2, *bcs2, wo, bo2)


def kernel(p, cloud_pos, npc_geo_feats, pts_num, B_pts, Ws, bs, Wc, bc, Wo, bo):
    cloud_t = jnp.pad(cloud_pos, ((0, MPAD - M), (0, 0)),
                      constant_values=1000.0).T
    idx8, d8, cnt = _knn_call(p, cloud_t)

    gathered = _sc_gather(npc_geo_feats, idx8.reshape(-1))

    noise = jax.random.normal(jax.random.key(42), (CDIM,), jnp.float32) * 0.01
    noise_t = jnp.tile(noise[None, :], (8, 1))
    ws = [Ws[0], Ws[1], Ws[2], Ws[3][:EMB], Ws[3][EMB:], Ws[4]]
    bs2 = [b.reshape(1, HID) for b in bs]
    bcs2 = [b.reshape(1, HID) for b in bc]
    bo2 = bo.reshape(1, 1)
    out, has_i, vrm = _decode_call(p, gathered, d8, cnt, noise_t, B_pts,
                                   ws, bs2, list(Wc), bcs2, Wo, bo2)
    thr = pts_num // 2 + 1
    valid_ray_mask = vrm.reshape(-1) >= thr
    has_neighbors = has_i.reshape(-1) > 0
    return out, valid_ray_mask, has_neighbors

# --- scband reference (transcript-rebuilt; emitter-appended) ---
"""Pipeline reference for scband-mlp-geometry-84868553769498 (READ-ONLY COPY).

The authoritative reference and input builder live on the scoring server;
editing this copy changes nothing except your own understanding.
"""

import jax, jax.numpy as jnp
import numpy as np
import math

Q = 8192
M = 50000
CDIM = 32
HID = 128
EMB = 93
K = 8
CHUNK = 1024
RADIUS = 0.08
MIN_NN = 2
N_SURFACE = 16
SKIPS = (2,)
IN_DIMS = (EMB, HID, HID, HID + EMB, HID)


def setup_inputs(seed: int = 0) -> dict:
    key = jax.random.key(seed)
    ks = jax.random.split(key, 24)
    p = jax.random.uniform(ks[0], (Q, 3), dtype=jnp.float32)
    cloud_pos = jax.random.uniform(ks[1], (M, 3), dtype=jnp.float32)
    npc_geo_feats = jax.random.normal(ks[2], (M, CDIM), dtype=jnp.float32)
    # learnable Gaussian Fourier feature matrix (3 -> 93), scale=25
    B_pts = jax.random.normal(ks[3], (3, EMB), dtype=jnp.float32) * 25.0
    Ws, bs = [], []
    for i, din in enumerate(IN_DIMS):
        gain = math.sqrt(2.0)  # relu gain (xavier_uniform w/ relu gain approximated by scaled normal)
        Ws.append(jax.random.normal(ks[4 + i], (din, HID), dtype=jnp.float32) * (gain / np.sqrt(din)))
        bs.append(jnp.zeros((HID,), dtype=jnp.float32))
    Wc, bc = [], []
    for i in range(5):
        Wc.append(jax.random.normal(ks[10 + i], (CDIM, HID), dtype=jnp.float32) * (1.0 / np.sqrt(CDIM)))
        bc.append(jnp.zeros((HID,), dtype=jnp.float32))
    Wo = jax.random.normal(ks[16], (HID, 1), dtype=jnp.float32) * (1.0 / np.sqrt(HID))
    bo = jnp.zeros((1,), dtype=jnp.float32)
    return {
        'p': p,
        'cloud_pos': cloud_pos,
        'npc_geo_feats': npc_geo_feats,
        'pts_num': 16,
        'B_pts': B_pts,
        'Ws': tuple(Ws),
        'bs': tuple(bs),
        'Wc': tuple(Wc),
        'bc': tuple(bc),
        'Wo': Wo,
        'bo': bo,
    }


def _knn(p, cloud):
    # faiss-style kNN (non-differentiable; p is detached in the original code)
    p0 = jax.lax.stop_gradient(p)
    cloud0 = jax.lax.stop_gradient(cloud)
    c2 = jnp.sum(cloud0 * cloud0, axis=-1)

    def chunk_fn(pc):
        d = jnp.sum(pc * pc, axis=-1, keepdims=True) - 2.0 * (pc @ cloud0.T) + c2[None, :]
        negd, idx = jax.lax.top_k(-d, K)
        return jnp.maximum(-negd, 0.0), idx

    Pc = p0.reshape(-1, CHUNK, 3)
    D, I = jax.lax.map(chunk_fn, Pc)
    return D.reshape(-1, K), I.reshape(-1, K)


def reference(p, cloud_pos, npc_geo_feats, pts_num, B_pts, Ws, bs, Wc, bc, Wo, bo):
    # --- get_feature_at_pos ---
    D, I = _knn(p, cloud_pos)
    r2 = RADIUS ** 2
    neighbor_num = jnp.sum((D <= r2).astype(jnp.int32), axis=1)
    has_neighbors = neighbor_num > (MIN_NN - 1)
    weights = 1.0 / (D + 1e-10)  # 'distance' weighting
    weights = jnp.where(D > r2, 0.0, weights)
    wsum = jnp.sum(jnp.abs(weights), axis=1, keepdims=True)
    weights = weights / jnp.maximum(wsum, 1e-12)  # F.normalize(p=1, dim=1)
    neighbor_feats = npc_geo_feats[I]  # gather [Q, K, CDIM]
    c = jnp.sum(weights[..., None] * neighbor_feats, axis=1).reshape(-1, CDIM)
    noise = jax.random.normal(jax.random.key(42), (CDIM,), dtype=jnp.float32) * 0.01
    c = jnp.where(has_neighbors[:, None], c, noise[None, :])

    # --- valid ray mask ---
    thr = pts_num // 2 + 1
    valid_ray_mask = ~(jnp.sum(has_neighbors.reshape(-1, N_SURFACE).astype(jnp.int32), axis=1) < thr)

    # --- Fourier embedding (concat=False -> sin only) ---
    embedded = jnp.sin(2.0 * math.pi * (p @ B_pts))

    # --- MLP with skips and per-layer feature injection ---
    h = embedded
    for i in range(5):
        h = h @ Ws[i] + bs[i]
        h = jax.nn.relu(h)
        h = h + (c @ Wc[i] + bc[i])
        if i in SKIPS:
            h = jnp.concatenate([embedded, h], axis=-1)
    out = h @ Wo + bo
    return out, valid_ray_mask, has_neighbors

if __name__ == "__main__":
    import jax
    _d = setup_inputs()
    print(jax.jit(kernel)(*tuple(_d.values())))

</pallas_src>

<mosaic_0001>
#map = affine_map<(d0, d1) -> (0, 0)>
#map1 = affine_map<(d0, d1) -> (0)>
module attributes {stable_mosaic.version = 14 : i64} {
  func.func @gather_kernel(%arg0: i32, %arg1: i32, %arg2: memref<50000x32xf32, #tpu.memory_space<hbm>>, %arg3: memref<65536xi32, #tpu.memory_space<hbm>>, %arg4: memref<65536x32xf32, #tpu.memory_space<hbm>>, %arg5: memref<2048xi32, #tpu.memory_space<vmem>>, %arg6: memref<2048x32xf32, #tpu.memory_space<vmem>>, %arg7: memref<!tpu.dma_semaphore, #tpu.memory_space<semaphore_mem>>) attributes {dimension_semantics = [#tpu.dimension_semantics<core_parallel>, #tpu.dimension_semantics<subcore_parallel>], iteration_bounds = array<i64: 2, 16>, scalar_prefetch = 0 : i64, scratch_operands = 3 : i64, tpu.core_type = #tpu.core_type<sc_vector_subcore>, window_params = [{transform_indices = #map}, {transform_indices = #map1}, {transform_indices = #map}]} {
    %mul3A = arith.constant 2 : i32
    %mul3A_0 = arith.muli %arg1, %mul3A : i32
    %add3A = arith.addi %mul3A_0, %arg0 : i32
    %mul3A_1 = arith.constant 2048 : i32
    %mul3A_2 = arith.muli %add3A, %mul3A_1 : i32
    "tpu.region"() ({
      %run_scoped3A = tpu.sem_alloc : memref<!tpu.dma_semaphore, #tpu.memory_space<semaphore_mem>>
      %dma_start3A_7 = tpu.memref_slice %arg3[%mul3A_2] : memref<65536xi32, #tpu.memory_space<hbm>> -> memref<2048xi32, #tpu.memory_space<hbm>>
      %dma_start3A_8 = tpu.memref_slice %arg3[%mul3A_2] : memref<65536xi32, #tpu.memory_space<hbm>> -> memref<2048xi32, #tpu.memory_space<hbm>>
      tpu.enqueue_dma source(%dma_start3A_8 : memref<2048xi32, #tpu.memory_space<hbm>>) target(%arg5 : memref<2048xi32, #tpu.memory_space<vmem>>) target_semaphore(%run_scoped3A : memref<!tpu.dma_semaphore, #tpu.memory_space<semaphore_mem>>)
      %dma_wait3A_9 = tpu.memref_slice %arg3[%mul3A_2] : memref<65536xi32, #tpu.memory_space<hbm>> -> memref<2048xi32, #tpu.memory_space<hbm>>
      %dma_wait3A_10 = tpu.memref_slice %arg3[%mul3A_2] : memref<65536xi32, #tpu.memory_space<hbm>> -> memref<2048xi32, #tpu.memory_space<hbm>>
      tpu.wait_dma2 semaphore(%run_scoped3A : memref<!tpu.dma_semaphore, #tpu.memory_space<semaphore_mem>>) src(%dma_wait3A_10 : memref<2048xi32, #tpu.memory_space<hbm>>) dst(%arg5 : memref<2048xi32, #tpu.memory_space<vmem>>)
      tpu.yield
    }) : () -> ()
    %dma_start3A = arith.constant 0 : i32
    %dma_start3A_3 = arith.constant 0 : i32
    %dma_start3A_4 = tpu.memref_slice %arg2[%dma_start3A, %dma_start3A_3] : memref<50000x32xf32, #tpu.memory_space<hbm>> -> memref<50000x32xf32, #tpu.memory_space<hbm>>
    tpu.enqueue_indirect_dma source(%dma_start3A_4 : memref<50000x32xf32, #tpu.memory_space<hbm>>) target(%arg6 : memref<2048x32xf32, #tpu.memory_space<vmem>>) offsets(%arg5 : memref<2048xi32, #tpu.memory_space<vmem>>) semaphore(%arg7 : memref<!tpu.dma_semaphore, #tpu.memory_space<semaphore_mem>>)
    %dma_wait3A = arith.constant 0 : i32
    %dma_wait3A_5 = arith.constant 0 : i32
    %dma_wait3A_6 = tpu.memref_slice %arg2[%dma_wait3A, %dma_wait3A_5] : memref<50000x32xf32, #tpu.memory_space<hbm>> -> memref<50000x32xf32, #tpu.memory_space<hbm>>
    tpu.wait_indirect_dma semaphore(%arg7 : memref<!tpu.dma_semaphore, #tpu.memory_space<semaphore_mem>>) src(%dma_wait3A_6 : memref<50000x32xf32, #tpu.memory_space<hbm>>) dst(%arg6 : memref<2048x32xf32, #tpu.memory_space<vmem>>)
    "tpu.region"() ({
      %run_scoped3A = tpu.sem_alloc : memref<!tpu.dma_semaphore, #tpu.memory_space<semaphore_mem>>
      %dma_start3A_7 = arith.constant 0 : i32
      %dma_start3A_8 = tpu.memref_slice %arg4[%mul3A_2, %dma_start3A_7] : memref<65536x32xf32, #tpu.memory_space<hbm>> -> memref<2048x32xf32, #tpu.memory_space<hbm>>
      %dma_start3A_9 = arith.constant 0 : i32
      %dma_start3A_10 = tpu.memref_slice %arg4[%mul3A_2, %dma_start3A_9] : memref<65536x32xf32, #tpu.memory_space<hbm>> -> memref<2048x32xf32, #tpu.memory_space<hbm>>
      tpu.enqueue_dma source(%arg6 : memref<2048x32xf32, #tpu.memory_space<vmem>>) target(%dma_start3A_10 : memref<2048x32xf32, #tpu.memory_space<hbm>>) target_semaphore(%run_scoped3A : memref<!tpu.dma_semaphore, #tpu.memory_space<semaphore_mem>>)
      %dma_wait3A_11 = arith.constant 0 : i32
      %dma_wait3A_12 = tpu.memref_slice %arg4[%mul3A_2, %dma_wait3A_11] : memref<65536x32xf32, #tpu.memory_space<hbm>> -> memref<2048x32xf32, #tpu.memory_space<hbm>>
      %dma_wait3A_13 = arith.constant 0 : i32
      %dma_wait3A_14 = tpu.memref_slice %arg4[%mul3A_2, %dma_wait3A_13] : memref<65536x32xf32, #tpu.memory_space<hbm>> -> memref<2048x32xf32, #tpu.memory_space<hbm>>
      tpu.wait_dma2 semaphore(%run_scoped3A : memref<!tpu.dma_semaphore, #tpu.memory_space<semaphore_mem>>) src(%arg6 : memref<2048x32xf32, #tpu.memory_space<vmem>>) dst(%dma_wait3A_14 : memref<2048x32xf32, #tpu.memory_space<hbm>>)
      tpu.yield
    }) : () -> ()
    return
  }
}

module attributes {stable_mosaic.version = 14 : i64} {
  func.func @_knn_body(%arg0: i32, %arg1: memref<256x3xf32, #tpu.memory_space<vmem>>, %arg2: memref<3x51200xf32, #tpu.memory_space<vmem>>, %arg3: memref<256x8xi32, #tpu.memory_space<vmem>>, %arg4: memref<256x8xf32, #tpu.memory_space<vmem>>, %arg5: memref<256x1xi32, #tpu.memory_space<vmem>>) attributes {dimension_semantics = [#tpu.dimension_semantics<parallel>], iteration_bounds = array<i64: 32>, scalar_prefetch = 0 : i64, scratch_operands = 0 : i64, tpu.core_type = #tpu.core_type<tc>, window_params = [{transform_indices = @transform_0, window_bounds = array<i64: 256, 3>}, {pipeline_mode = #tpu.pipeline_mode<synchronous>, transform_indices = @transform_1, window_bounds = array<i64: 3, 51200>}, {transform_indices = @transform_2, window_bounds = array<i64: 256, 8>}, {transform_indices = @transform_3, window_bounds = array<i64: 256, 8>}, {transform_indices = @transform_4, window_bounds = array<i64: 256, 1>}]} {
    %get3A = arith.constant 0 : index
    %get3A_0 = arith.constant 0 : index
    %get3A_1 = vector.load %arg1[%get3A, %get3A_0] : memref<256x3xf32, #tpu.memory_space<vmem>>, vector<256x3xf32>
    %mul3A = arith.mulf %get3A_1, %get3A_1 : vector<256x3xf32>
    %reduce_sum3A = arith.constant dense<0.000000e+00> : vector<256xf32>
    %reduce_sum3A_2 = vector.multi_reduction <add>, %mul3A, %reduce_sum3A [1] : vector<256x3xf32> to vector<256xf32>
    %broadcast_in_dim3A = vector.shape_cast %reduce_sum3A_2 : vector<256xf32> to vector<256x1xf32>
    %convert_element_type3A = arith.truncf %get3A_1 : vector<256x3xf32> to vector<256x3xbf16>
    %broadcast_in_dim3A_3 = arith.constant 1.000000e+30 : f32
    %broadcast_in_dim3A_4 = vector.broadcast %broadcast_in_dim3A_3 : f32 to vector<256x8xf32>
    %broadcast_in_dim3A_5 = arith.constant 2.000000e+30 : f32
    %broadcast_in_dim3A_6 = vector.broadcast %broadcast_in_dim3A_5 : f32 to vector<256x8xf32>
    %broadcast_in_dim3A_7 = arith.constant 0 : i32
    %broadcast_in_dim3A_8 = vector.broadcast %broadcast_in_dim3A_7 : i32 to vector<256x1xi32>
    %scan3A = arith.constant 0 : i32
    %scan3A_9 = arith.constant 25 : i32
    %scan3A_10 = arith.addi %scan3A, %scan3A_9 : i32
    %scan3A_11 = arith.constant 1 : i32
    %scan3A_12:3 = scf.for %scan3A_25 = %scan3A to %scan3A_10 step %scan3A_11 iter_args(%scan3A_26 = %broadcast_in_dim3A_4, %scan3A_27 = %broadcast_in_dim3A_6, %scan3A_28 = %broadcast_in_dim3A_8) -> (vector<256x8xf32>, vector<256x8xf32>, vector<256x1xi32>)  : i32 {
      %mul3A_29 = arith.constant 2048 : i32
      %mul3A_30 = arith.muli %scan3A_25, %mul3A_29 : i32
      %get3A_31 = arith.constant 0 : index
      %get3A_32 = arith.index_cast %mul3A_30 : i32 to index
      %get3A_33 = vector.load %arg2[%get3A_31, %get3A_32] : memref<3x51200xf32, #tpu.memory_space<vmem>>, vector<3x2048xf32>
      %mul3A_34 = arith.mulf %get3A_33, %get3A_33 : vector<3x2048xf32>
      %reduce_sum3A_35 = arith.constant dense<0.000000e+00> : vector<2048xf32>
      %reduce_sum3A_36 = vector.multi_reduction <add>, %mul3A_34, %reduce_sum3A_35 [0] : vector<3x2048xf32> to vector<2048xf32>
      %broadcast_in_dim3A_37 = vector.shape_cast %reduce_sum3A_36 : vector<2048xf32> to vector<1x2048xf32>
      %convert_element_type3A_38 = arith.truncf %get3A_33 : vector<3x2048xf32> to vector<3x2048xbf16>
      %dot_general3A = arith.constant dense<0.000000e+00> : vector<256x2048xf32>
      %dot_general3A_39 = tpu.matmul %convert_element_type3A, %convert_element_type3A_38, %dot_general3A {dimension_numbers = #tpu.dot_dimension_numbers<[1], [0], [0], [1], [0, 0, 1, 1], [], []>, transpose_lhs_hint = false} : vector<256x3xbf16>, vector<3x2048xbf16>, vector<256x2048xf32> -> vector<256x2048xf32>
      %mul3A_40 = arith.constant 2.000000e+00 : f32
      %mul3A_41 = vector.broadcast %mul3A_40 : f32 to vector<256x2048xf32>
      %mul3A_42 = arith.mulf %mul3A_41, %dot_general3A_39 : vector<256x2048xf32>
      %sub3A = vector.broadcast %broadcast_in_dim3A : vector<256x1xf32> to vector<256x2048xf32>
      %sub3A_43 = arith.subf %sub3A, %mul3A_42 : vector<256x2048xf32>
      %add3A = vector.broadcast %broadcast_in_dim3A_37 : vector<1x2048xf32> to vector<256x2048xf32>
      %add3A_44 = arith.addf %sub3A_43, %add3A : vector<256x2048xf32>
      %le3A = arith.constant 6.400000e-03 : f32
      %le3A_45 = vector.broadcast %le3A : f32 to vector<256x2048xf32>
      %le3A_46 = arith.cmpf ole, %add3A_44, %le3A_45 : vector<256x2048xf32>
      %convert_element_type3A_47 = arith.extui %le3A_46 : vector<256x2048xi1> to vector<256x2048xi32>
      %reduce_sum3A_48 = arith.constant dense<0> : vector<256xi32>
      %reduce_sum3A_49 = vector.multi_reduction <add>, %convert_element_type3A_47, %reduce_sum3A_48 [1] : vector<256x2048xi32> to vector<256xi32>
      %broadcast_in_dim3A_50 = vector.shape_cast %reduce_sum3A_49 : vector<256xi32> to vector<256x1xi32>
      %add3A_51 = arith.addi %scan3A_28, %broadcast_in_dim3A_50 : vector<256x1xi32>
      %jit3A = arith.constant 1.000000e+30 : f32
      %broadcast_in_dim3A_52 = vector.broadcast %jit3A : f32 to vector<256x2048xf32>
      %select_n3A = arith.select %le3A_46, %add3A_44, %broadcast_in_dim3A_52 : vector<256x2048xi1>, vector<256x2048xf32>
      %mul3A_53 = arith.constant 2048 : i32
      %mul3A_54 = arith.muli %scan3A_25, %mul3A_53 : i32
      %convert_element_type3A_55 = arith.sitofp %mul3A_54 : i32 to f32
      %iota3A = tpu.iota {dimensions = array<i32: 1>} : vector<256x2048xi32>
      %convert_element_type3A_56 = arith.sitofp %iota3A : vector<256x2048xi32> to vector<256x2048xf32>
      %add3A_57 = vector.broadcast %convert_element_type3A_55 : f32 to vector<256x2048xf32>
      %add3A_58 = arith.addf %add3A_57, %convert_element_type3A_56 : vector<256x2048xf32>
      %reduce_min3A = arith.constant dense<0x7F800000> : vector<256xf32>
      %reduce_min3A_59 = vector.multi_reduction <minimumf>, %select_n3A, %reduce_min3A [1] : vector<256x2048xf32> to vector<256xf32>
      %broadcast_in_dim3A_60 = vector.shape_cast %reduce_min3A_59 : vector<256xf32> to vector<256x1xf32>
      %eq3A = vector.broadcast %broadcast_in_dim3A_60 : vector<256x1xf32> to vector<256x2048xf32>
      %eq3A_61 = arith.cmpf oeq, %select_n3A, %eq3A : vector<256x2048xf32>
      %jit3A_62 = arith.constant 2.000000e+30 : f32
      %broadcast_in_dim3A_63 = vector.broadcast %jit3A_62 : f32 to vector<256x2048xf32>
      %select_n3A_64 = arith.select %eq3A_61, %add3A_58, %broadcast_in_dim3A_63 : vector<256x2048xi1>, vector<256x2048xf32>
      %reduce_min3A_65 = arith.constant dense<0x7F800000> : vector<256xf32>
      %reduce_min3A_66 = vector.multi_reduction <minimumf>, %select_n3A_64, %reduce_min3A_65 [1] : vector<256x2048xf32> to vector<256xf32>
      %broadcast_in_dim3A_67 = vector.shape_cast %reduce_min3A_66 : vector<256xf32> to vector<256x1xf32>
      %eq3A_68 = vector.broadcast %broadcast_in_dim3A_67 : vector<256x1xf32> to vector<256x2048xf32>
      %eq3A_69 = arith.cmpf oeq, %add3A_58, %eq3A_68 : vector<256x2048xf32>
      %jit3A_70 = arith.constant 1.000000e+30 : f32
      %broadcast_in_dim3A_71 = vector.broadcast %jit3A_70 : f32 to vector<256x2048xf32>
      %select_n3A_72 = arith.select %eq3A_69, %broadcast_in_dim3A_71, %select_n3A : vector<256x2048xi1>, vector<256x2048xf32>
      %reduce_min3A_73 = arith.constant dense<0x7F800000> : vector<256xf32>
      %reduce_min3A_74 = vector.multi_reduction <minimumf>, %select_n3A_72, %reduce_min3A_73 [1] : vector<256x2048xf32> to vector<256xf32>
      %broadcast_in_dim3A_75 = vector.shape_cast %reduce_min3A_74 : vector<256xf32> to vector<256x1xf32>
      %eq3A_76 = vector.broadcast %broadcast_in_dim3A_75 : vector<256x1xf32> to vector<256x2048xf32>
      %eq3A_77 = arith.cmpf oeq, %select_n3A_72, %eq3A_76 : vector<256x2048xf32>
      %jit3A_78 = arith.constant 2.000000e+30 : f32
      %broadcast_in_dim3A_79 = vector.broadcast %jit3A_78 : f32 to vector<256x2048xf32>
      %select_n3A_80 = arith.select %eq3A_77, %add3A_58, %broadcast_in_dim3A_79 : vector<256x2048xi1>, vector<256x2048xf32>
      %reduce_min3A_81 = arith.constant dense<0x7F800000> : vector<256xf32>
      %reduce_min3A_82 = vector.multi_reduction <minimumf>, %select_n3A_80, %reduce_min3A_81 [1] : vector<256x2048xf32> to vector<256xf32>
      %broadcast_in_dim3A_83 = vector.shape_cast %reduce_min3A_82 : vector<256xf32> to vector<256x1xf32>
      %eq3A_84 = vector.broadcast %broadcast_in_dim3A_83 : vector<256x1xf32> to vector<256x2048xf32>
      %eq3A_85 = arith.cmpf oeq, %add3A_58, %eq3A_84 : vector<256x2048xf32>
      %jit3A_86 = arith.constant 1.000000e+30 : f32
      %broadcast_in_dim3A_87 = vector.broadcast %jit3A_86 : f32 to vector<256x2048xf32>
      %select_n3A_88 = arith.select %eq3A_85, %broadcast_in_dim3A_87, %select_n3A_72 : vector<256x2048xi1>, vector<256x2048xf32>
      %reduce_min3A_89 = arith.constant dense<0x7F800000> : vector<256xf32>
      %reduce_min3A_90 = vector.multi_reduction <minimumf>, %select_n3A_88, %reduce_min3A_89 [1] : vector<256x2048xf32> to vector<256xf32>
      %broadcast_in_dim3A_91 = vector.shape_cast %reduce_min3A_90 : vector<256xf32> to vector<256x1xf32>
      %eq3A_92 = vector.broadcast %broadcast_in_dim3A_91 : vector<256x1xf32> to vector<256x2048xf32>
      %eq3A_93 = arith.cmpf oeq, %select_n3A_88, %eq3A_92 : vector<256x2048xf32>
      %jit3A_94 = arith.constant 2.000000e+30 : f32
      %broadcast_in_dim3A_95 = vector.broadcast %jit3A_94 : f32 to vector<256x2048xf32>
      %select_n3A_96 = arith.select %eq3A_93, %add3A_58, %broadcast_in_dim3A_95 : vector<256x2048xi1>, vector<256x2048xf32>
      %reduce_min3A_97 = arith.constant dense<0x7F800000> : vector<256xf32>
      %reduce_min3A_98 = vector.multi_reduction <minimumf>, %select_n3A_96, %reduce_min3A_97 [1] : vector<256x2048xf32> to vector<256xf32>
      %broadcast_in_dim3A_99 = vector.shape_cast %reduce_min3A_98 : vector<256xf32> to vector<256x1xf32>
      %eq3A_100 = vector.broadcast %broadcast_in_dim3A_99 : vector<256x1xf32> to vector<256x2048xf32>
      %eq3A_101 = arith.cmpf oeq, %add3A_58, %eq3A_100 : vector<256x2048xf32>
      %jit3A_102 = arith.constant 1.000000e+30 : f32
      %broadcast_in_dim3A_103 = vector.broadcast %jit3A_102 : f32 to vector<256x2048xf32>
      %select_n3A_104 = arith.select %eq3A_101, %broadcast_in_dim3A_103, %select_n3A_88 : vector<256x2048xi1>, vector<256x2048xf32>
      %reduce_min3A_105 = arith.constant dense<0x7F800000> : vector<256xf32>
      %reduce_min3A_106 = vector.multi_reduction <minimumf>, %select_n3A_104, %reduce_min3A_105 [1] : vector<256x2048xf32> to vector<256xf32>
      %broadcast_in_dim3A_107 = vector.shape_cast %reduce_min3A_106 : vector<256xf32> to vector<256x1xf32>
      %eq3A_108 = vector.broadcast %broadcast_in_dim3A_107 : vector<256x1xf32> to vector<256x2048xf32>
      %eq3A_109 = arith.cmpf oeq, %select_n3A_104, %eq3A_108 : vector<256x2048xf32>
      %jit3A_110 = arith.constant 2.000000e+30 : f32
      %broadcast_in_dim3A_111 = vector.broadcast %jit3A_110 : f32 to vector<256x2048xf32>
      %select_n3A_112 = arith.select %eq3A_109, %add3A_58, %broadcast_in_dim3A_111 : vector<256x2048xi1>, vector<256x2048xf32>
      %reduce_min3A_113 = arith.constant dense<0x7F800000> : vector<256xf32>
      %reduce_min3A_114 = vector.multi_reduction <minimumf>, %select_n3A_112, %reduce_min3A_113 [1] : vector<256x2048xf32> to vector<256xf32>
      %broadcast_in_dim3A_115 = vector.shape_cast %reduce_min3A_114 : vector<256xf32> to vector<256x1xf32>
      %eq3A_116 = vector.broadcast %broadcast_in_dim3A_115 : vector<256x1xf32> to vector<256x2048xf32>
      %eq3A_117 = arith.cmpf oeq, %add3A_58, %eq3A_116 : vector<256x2048xf32>
      %jit3A_118 = arith.constant 1.000000e+30 : f32
      %broadcast_in_dim3A_119 = vector.broadcast %jit3A_118 : f32 to vector<256x2048xf32>
      %select_n3A_120 = arith.select %eq3A_117, %broadcast_in_dim3A_119, %select_n3A_104 : vector<256x2048xi1>, vector<256x2048xf32>
      %reduce_min3A_121 = arith.constant dense<0x7F800000> : vector<256xf32>
      %reduce_min3A_122 = vector.multi_reduction <minimumf>, %select_n3A_120, %reduce_min3A_121 [1] : vector<256x2048xf32> to vector<256xf32>
      %broadcast_in_dim3A_123 = vector.shape_cast %reduce_min3A_122 : vector<256xf32> to vector<256x1xf32>
      %eq3A_124 = vector.broadcast %broadcast_in_dim3A_123 : vector<256x1xf32> to vector<256x2048xf32>
      %eq3A_125 = arith.cmpf oeq, %select_n3A_120, %eq3A_124 : vector<256x2048xf32>
      %jit3A_126 = arith.constant 2.000000e+30 : f32
      %broadcast_in_dim3A_127 = vector.broadcast %jit3A_126 : f32 to vector<256x2048xf32>
      %select_n3A_128 = arith.select %eq3A_125, %add3A_58, %broadcast_in_dim3A_127 : vector<256x2048xi1>, vector<256x2048xf32>
      %reduce_min3A_129 = arith.constant dense<0x7F800000> : vector<256xf32>
      %reduce_min3A_130 = vector.multi_reduction <minimumf>, %select_n3A_128, %reduce_min3A_129 [1] : vector<256x2048xf32> to vector<256xf32>
      %broadcast_in_dim3A_131 = vector.shape_cast %reduce_min3A_130 : vector<256xf32> to vector<256x1xf32>
      %eq3A_132 = vector.broadcast %broadcast_in_dim3A_131 : vector<256x1xf32> to vector<256x2048xf32>
      %eq3A_133 = arith.cmpf oeq, %add3A_58, %eq3A_132 : vector<256x2048xf32>
      %jit3A_134 = arith.constant 1.000000e+30 : f32
      %broadcast_in_dim3A_135 = vector.broadcast %jit3A_134 : f32 to vector<256x2048xf32>
      %select_n3A_136 = arith.select %eq3A_133, %broadcast_in_dim3A_135, %select_n3A_120 : vector<256x2048xi1>, vector<256x2048xf32>
      %reduce_min3A_137 = arith.constant dense<0x7F800000> : vector<256xf32>
      %reduce_min3A_138 = vector.multi_reduction <minimumf>, %select_n3A_136, %reduce_min3A_137 [1] : vector<256x2048xf32> to vector<256xf32>
      %broadcast_in_dim3A_139 = vector.shape_cast %reduce_min3A_138 : vector<256xf32> to vector<256x1xf32>
      %eq3A_140 = vector.broadcast %broadcast_in_dim3A_139 : vector<256x1xf32> to vector<256x2048xf32>
      %eq3A_141 = arith.cmpf oeq, %select_n3A_136, %eq3A_140 : vector<256x2048xf32>
      %jit3A_142 = arith.constant 2.000000e+30 : f32
      %broadcast_in_dim3A_143 = vector.broadcast %jit3A_142 : f32 to vector<256x2048xf32>
      %select_n3A_144 = arith.select %eq3A_141, %add3A_58, %broadcast_in_dim3A_143 : vector<256x2048xi1>, vector<256x2048xf32>
      %reduce_min3A_145 = arith.constant dense<0x7F800000> : vector<256xf32>
      %reduce_min3A_146 = vector.multi_reduction <minimumf>, %select_n3A_144, %reduce_min3A_145 [1] : vector<256x2048xf32> to vector<256xf32>
      %broadcast_in_dim3A_147 = vector.shape_cast %reduce_min3A_146 : vector<256xf32> to vector<256x1xf32>
      %eq3A_148 = vector.broadcast %broadcast_in_dim3A_147 : vector<256x1xf32> to vector<256x2048xf32>
      %eq3A_149 = arith.cmpf oeq, %add3A_58, %eq3A_148 : vector<256x2048xf32>
      %jit3A_150 = arith.constant 1.000000e+30 : f32
      %broadcast_in_dim3A_151 = vector.broadcast %jit3A_150 : f32 to vector<256x2048xf32>
      %select_n3A_152 = arith.select %eq3A_149, %broadcast_in_dim3A_151, %select_n3A_136 : vector<256x2048xi1>, vector<256x2048xf32>
      %reduce_min3A_153 = arith.constant dense<0x7F800000> : vector<256xf32>
      %reduce_min3A_154 = vector.multi_reduction <minimumf>, %select_n3A_152, %reduce_min3A_153 [1] : vector<256x2048xf32> to vector<256xf32>
      %broadcast_in_dim3A_155 = vector.shape_cast %reduce_min3A_154 : vector<256xf32> to vector<256x1xf32>
      %eq3A_156 = vector.broadcast %broadcast_in_dim3A_155 : vector<256x1xf32> to vector<256x2048xf32>
      %eq3A_157 = arith.cmpf oeq, %select_n3A_152, %eq3A_156 : vector<256x2048xf32>
      %jit3A_158 = arith.constant 2.000000e+30 : f32
      %broadcast_in_dim3A_159 = vector.broadcast %jit3A_158 : f32 to vector<256x2048xf32>
      %select_n3A_160 = arith.select %eq3A_157, %add3A_58, %broadcast_in_dim3A_159 : vector<256x2048xi1>, vector<256x2048xf32>
      %reduce_min3A_161 = arith.constant dense<0x7F800000> : vector<256xf32>
      %reduce_min3A_162 = vector.multi_reduction <minimumf>, %select_n3A_160, %reduce_min3A_161 [1] : vector<256x2048xf32> to vector<256xf32>
      %broadcast_in_dim3A_163 = vector.shape_cast %reduce_min3A_162 : vector<256xf32> to vector<256x1xf32>
      %eq3A_164 = vector.broadcast %broadcast_in_dim3A_163 : vector<256x1xf32> to vector<256x2048xf32>
      %eq3A_165 = arith.cmpf oeq, %add3A_58, %eq3A_164 : vector<256x2048xf32>
      %jit3A_166 = arith.constant 1.000000e+30 : f32
      %broadcast_in_dim3A_167 = vector.broadcast %jit3A_166 : f32 to vector<256x2048xf32>
      %select_n3A_168 = arith.select %eq3A_165, %broadcast_in_dim3A_167, %select_n3A_152 : vector<256x2048xi1>, vector<256x2048xf32>
      %reduce_min3A_169 = arith.constant dense<0x7F800000> : vector<256xf32>
      %reduce_min3A_170 = vector.multi_reduction <minimumf>, %select_n3A_168, %reduce_min3A_169 [1] : vector<256x2048xf32> to vector<256xf32>
      %broadcast_in_dim3A_171 = vector.shape_cast %reduce_min3A_170 : vector<256xf32> to vector<256x1xf32>
      %eq3A_172 = vector.broadcast %broadcast_in_dim3A_171 : vector<256x1xf32> to vector<256x2048xf32>
      %eq3A_173 = arith.cmpf oeq, %select_n3A_168, %eq3A_172 : vector<256x2048xf32>
      %jit3A_174 = arith.constant 2.000000e+30 : f32
      %broadcast_in_dim3A_175 = vector.broadcast %jit3A_174 : f32 to vector<256x2048xf32>
      %select_n3A_176 = arith.select %eq3A_173, %add3A_58, %broadcast_in_dim3A_175 : vector<256x2048xi1>, vector<256x2048xf32>
      %reduce_min3A_177 = arith.constant dense<0x7F800000> : vector<256xf32>
      %reduce_min3A_178 = vector.multi_reduction <minimumf>, %select_n3A_176, %reduce_min3A_177 [1] : vector<256x2048xf32> to vector<256xf32>
      %broadcast_in_dim3A_179 = vector.shape_cast %reduce_min3A_178 : vector<256xf32> to vector<256x1xf32>
      %concatenate3A = tpu.concatenate %scan3A_26, %broadcast_in_dim3A_60, %broadcast_in_dim3A_75, %broadcast_in_dim3A_91, %broadcast_in_dim3A_107, %broadcast_in_dim3A_123, %broadcast_in_dim3A_139, %broadcast_in_dim3A_155, %broadcast_in_dim3A_171 in 1 : vector<256x8xf32>, vector<256x1xf32>, vector<256x1xf32>, vector<256x1xf32>, vector<256x1xf32>, vector<256x1xf32>, vector<256x1xf32>, vector<256x1xf32>, vector<256x1xf32> -> vector<256x16xf32>
      %concatenate3A_180 = tpu.concatenate %scan3A_27, %broadcast_in_dim3A_67, %broadcast_in_dim3A_83, %broadcast_in_dim3A_99, %broadcast_in_dim3A_115, %broadcast_in_dim3A_131, %broadcast_in_dim3A_147, %broadcast_in_dim3A_163, %broadcast_in_dim3A_179 in 1 : vector<256x8xf32>, vector<256x1xf32>, vector<256x1xf32>, vector<256x1xf32>, vector<256x1xf32>, vector<256x1xf32>, vector<256x1xf32>, vector<256x1xf32>, vector<256x1xf32> -> vector<256x16xf32>
      %reduce_min3A_181 = arith.constant dense<0x7F800000> : vector<256xf32>
      %reduce_min3A_182 = vector.multi_reduction <minimumf>, %concatenate3A, %reduce_min3A_181 [1] : vector<256x16xf32> to vector<256xf32>
      %broadcast_in_dim3A_183 = vector.shape_cast %reduce_min3A_182 : vector<256xf32> to vector<256x1xf32>
      %eq3A_184 = vector.broadcast %broadcast_in_dim3A_183 : vector<256x1xf32> to vector<256x16xf32>
      %eq3A_185 = arith.cmpf oeq, %concatenate3A, %eq3A_184 : vector<256x16xf32>
      %jit3A_186 = arith.constant 2.000000e+30 : f32
      %broadcast_in_dim3A_187 = vector.broadcast %jit3A_186 : f32 to vector<256x16xf32>
      %select_n3A_188 = arith.select %eq3A_185, %concatenate3A_180, %broadcast_in_dim3A_187 : vector<256x16xi1>, vector<256x16xf32>
      %reduce_min3A_189 = arith.constant dense<0x7F800000> : vector<256xf32>
      %reduce_min3A_190 = vector.multi_reduction <minimumf>, %select_n3A_188, %reduce_min3A_189 [1] : vector<256x16xf32> to vector<256xf32>
      %broadcast_in_dim3A_191 = vector.shape_cast %reduce_min3A_190 : vector<256xf32> to vector<256x1xf32>
      %eq3A_192 = vector.broadcast %broadcast_in_dim3A_191 : vector<256x1xf32> to vector<256x16xf32>
      %eq3A_193 = arith.cmpf oeq, %concatenate3A_180, %eq3A_192 : vector<256x16xf32>
      %and3A = arith.andi %eq3A_185, %eq3A_193 : vector<256x16xi1>
      %jit3A_194 = arith.constant 1.000000e+30 : f32
      %broadcast_in_dim3A_195 = vector.broadcast %jit3A_194 : f32 to vector<256x16xf32>
      %select_n3A_196 = arith.select %and3A, %broadcast_in_dim3A_195, %concatenate3A : vector<256x16xi1>, vector<256x16xf32>
      %reduce_min3A_197 = arith.constant dense<0x7F800000> : vector<256xf32>
      %reduce_min3A_198 = vector.multi_reduction <minimumf>, %select_n3A_196, %reduce_min3A_197 [1] : vector<256x16xf32> to vector<256xf32>
      %broadcast_in_dim3A_199 = vector.shape_cast %reduce_min3A_198 : vector<256xf32> to vector<256x1xf32>
      %eq3A_200 = vector.broadcast %broadcast_in_dim3A_199 : vector<256x1xf32> to vector<256x16xf32>
      %eq3A_201 = arith.cmpf oeq, %select_n3A_196, %eq3A_200 : vector<256x16xf32>
      %jit3A_202 = arith.constant 2.000000e+30 : f32
      %broadcast_in_dim3A_203 = vector.broadcast %jit3A_202 : f32 to vector<256x16xf32>
      %select_n3A_204 = arith.select %eq3A_201, %concatenate3A_180, %broadcast_in_dim3A_203 : vector<256x16xi1>, vector<256x16xf32>
      %reduce_min3A_205 = arith.constant dense<0x7F800000> : vector<256xf32>
      %reduce_min3A_206 = vector.multi_reduction <minimumf>, %select_n3A_204, %reduce_min3A_205 [1] : vector<256x16xf32> to vector<256xf32>
      %broadcast_in_dim3A_207 = vector.shape_cast %reduce_min3A_206 : vector<256xf32> to vector<256x1xf32>
      %eq3A_208 = vector.broadcast %broadcast_in_dim3A_207 : vector<256x1xf32> to vector<256x16xf32>
      %eq3A_209 = arith.cmpf oeq, %concatenate3A_180, %eq3A_208 : vector<256x16xf32>
      %and3A_210 = arith.andi %eq3A_201, %eq3A_209 : vector<256x16xi1>
      %jit3A_211 = arith.constant 1.000000e+30 : f32
      %broadcast_in_dim3A_212 = vector.broadcast %jit3A_211 : f32 to vector<256x16xf32>
      %select_n3A_213 = arith.select %and3A_210, %broadcast_in_dim3A_212, %select_n3A_196 : vector<256x16xi1>, vector<256x16xf32>
      %reduce_min3A_214 = arith.constant dense<0x7F800000> : vector<256xf32>
      %reduce_min3A_215 = vector.multi_reduction <minimumf>, %select_n3A_213, %reduce_min3A_214 [1] : vector<256x16xf32> to vector<256xf32>
      %broadcast_in_dim3A_216 = vector.shape_cast %reduce_min3A_215 : vector<256xf32> to vector<256x1xf32>
      %eq3A_217 = vector.broadcast %broadcast_in_dim3A_216 : vector<256x1xf32> to vector<256x16xf32>
      %eq3A_218 = arith.cmpf oeq, %select_n3A_213, %eq3A_217 : vector<256x16xf32>
      %jit3A_219 = arith.constant 2.000000e+30 : f32
      %broadcast_in_dim3A_220 = vector.broadcast %jit3A_219 : f32 to vector<256x16xf32>
      %select_n3A_221 = arith.select %eq3A_218, %concatenate3A_180, %broadcast_in_dim3A_220 : vector<256x16xi1>, vector<256x16xf32>
      %reduce_min3A_222 = arith.constant dense<0x7F800000> : vector<256xf32>
      %reduce_min3A_223 = vector.multi_reduction <minimumf>, %select_n3A_221, %reduce_min3A_222 [1] : vector<256x16xf32> to vector<256xf32>
      %broadcast_in_dim3A_224 = vector.shape_cast %reduce_min3A_223 : vector<256xf32> to vector<256x1xf32>
      %eq3A_225 = vector.broadcast %broadcast_in_dim3A_224 : vector<256x1xf32> to vector<256x16xf32>
      %eq3A_226 = arith.cmpf oeq, %concatenate3A_180, %eq3A_225 : vector<256x16xf32>
      %and3A_227 = arith.andi %eq3A_218, %eq3A_226 : vector<256x16xi1>
      %jit3A_228 = arith.constant 1.000000e+30 : f32
      %broadcast_in_dim3A_229 = vector.broadcast %jit3A_228 : f32 to vector<256x16xf32>
      %select_n3A_230 = arith.select %and3A_227, %broadcast_in_dim3A_229, %select_n3A_213 : vector<256x16xi1>, vector<256x16xf32>
      %reduce_min3A_231 = arith.constant dense<0x7F800000> : vector<256xf32>
      %reduce_min3A_232 = vector.multi_reduction <minimumf>, %select_n3A_230, %reduce_min3A_231 [1] : vector<256x16xf32> to vector<256xf32>
      %broadcast_in_dim3A_233 = vector.shape_cast %reduce_min3A_232 : vector<256xf32> to vector<256x1xf32>
      %eq3A_234 = vector.broadcast %broadcast_in_dim3A_233 : vector<256x1xf32> to vector<256x16xf32>
      %eq3A_235 = arith.cmpf oeq, %select_n3A_230, %eq3A_234 : vector<256x16xf32>
      %jit3A_236 = arith.constant 2.000000e+30 : f32
      %broadcast_in_dim3A_237 = vector.broadcast %jit3A_236 : f32 to vector<256x16xf32>
      %select_n3A_238 = arith.select %eq3A_235, %concatenate3A_180, %broadcast_in_dim3A_237 : vector<256x16xi1>, vector<256x16xf32>
      %reduce_min3A_239 = arith.constant dense<0x7F800000> : vector<256xf32>
      %reduce_min3A_240 = vector.multi_reduction <minimumf>, %select_n3A_238, %reduce_min3A_239 [1] : vector<256x16xf32> to vector<256xf32>
      %broadcast_in_dim3A_241 = vector.shape_cast %reduce_min3A_240 : vector<256xf32> to vector<256x1xf32>
      %eq3A_242 = vector.broadcast %broadcast_in_dim3A_241 : vector<256x1xf32> to vector<256x16xf32>
      %eq3A_243 = arith.cmpf oeq, %concatenate3A_180, %eq3A_242 : vector<256x16xf32>
      %and3A_244 = arith.andi %eq3A_235, %eq3A_243 : vector<256x16xi1>
      %jit3A_245 = arith.constant 1.000000e+30 : f32
      %broadcast_in_dim3A_246 = vector.broadcast %jit3A_245 : f32 to vector<256x16xf32>
      %select_n3A_247 = arith.select %and3A_244, %broadcast_in_dim3A_246, %select_n3A_230 : vector<256x16xi1>, vector<256x16xf32>
      %reduce_min3A_248 = arith.constant dense<0x7F800000> : vector<256xf32>
      %reduce_min3A_249 = vector.multi_reduction <minimumf>, %select_n3A_247, %reduce_min3A_248 [1] : vector<256x16xf32> to vector<256xf32>
      %broadcast_in_dim3A_250 = vector.shape_cast %reduce_min3A_249 : vector<256xf32> to vector<256x1xf32>
      %eq3A_251 = vector.broadcast %broadcast_in_dim3A_250 : vector<256x1xf32> to vector<256x16xf32>
      %eq3A_252 = arith.cmpf oeq, %select_n3A_247, %eq3A_251 : vector<256x16xf32>
      %jit3A_253 = arith.constant 2.000000e+30 : f32
      %broadcast_in_dim3A_254 = vector.broadcast %jit3A_253 : f32 to vector<256x16xf32>
      %select_n3A_255 = arith.select %eq3A_252, %concatenate3A_180, %broadcast_in_dim3A_254 : vector<256x16xi1>, vector<256x16xf32>
      %reduce_min3A_256 = arith.constant dense<0x7F800000> : vector<256xf32>
      %reduce_min3A_257 = vector.multi_reduction <minimumf>, %select_n3A_255, %reduce_min3A_256 [1] : vector<256x16xf32> to vector<256xf32>
      %broadcast_in_dim3A_258 = vector.shape_cast %reduce_min3A_257 : vector<256xf32> to vector<256x1xf32>
      %eq3A_259 = vector.broadcast %broadcast_in_dim3A_258 : vector<256x1xf32> to vector<256x16xf32>
      %eq3A_260 = arith.cmpf oeq, %concatenate3A_180, %eq3A_259 : vector<256x16xf32>
      %and3A_261 = arith.andi %eq3A_252, %eq3A_260 : vector<256x16xi1>
      %jit3A_262 = arith.constant 1.000000e+30 : f32
      %broadcast_in_dim3A_263 = vector.broadcast %jit3A_262 : f32 to vector<256x16xf32>
      %select_n3A_264 = arith.select %and3A_261, %broadcast_in_dim3A_263, %select_n3A_247 : vector<256x16xi1>, vector<256x16xf32>
      %reduce_min3A_265 = arith.constant dense<0x7F800000> : vector<256xf32>
      %reduce_min3A_266 = vector.multi_reduction <minimumf>, %select_n3A_264, %reduce_min3A_265 [1] : vector<256x16xf32> to vector<256xf32>
      %broadcast_in_dim3A_267 = vector.shape_cast %reduce_min3A_266 : vector<256xf32> to vector<256x1xf32>
      %eq3A_268 = vector.broadcast %broadcast_in_dim3A_267 : vector<256x1xf32> to vector<256x16xf32>
      %eq3A_269 = arith.cmpf oeq, %select_n3A_264, %eq3A_268 : vector<256x16xf32>
      %jit3A_270 = arith.constant 2.000000e+30 : f32
      %broadcast_in_dim3A_271 = vector.broadcast %jit3A_270 : f32 to vector<256x16xf32>
      %select_n3A_272 = arith.select %eq3A_269, %concatenate3A_180, %broadcast_in_dim3A_271 : vector<256x16xi1>, vector<256x16xf32>
      %reduce_min3A_273 = arith.constant dense<0x7F800000> : vector<256xf32>
      %reduce_min3A_274 = vector.multi_reduction <minimumf>, %select_n3A_272, %reduce_min3A_273 [1] : vector<256x16xf32> to vector<256xf32>
      %broadcast_in_dim3A_275 = vector.shape_cast %reduce_min3A_274 : vector<256xf32> to vector<256x1xf32>
      %eq3A_276 = vector.broadcast %broadcast_in_dim3A_275 : vector<256x1xf32> to vector<256x16xf32>
      %eq3A_277 = arith.cmpf oeq, %concatenate3A_180, %eq3A_276 : vector<256x16xf32>
      %and3A_278 = arith.andi %eq3A_269, %eq3A_277 : vector<256x16xi1>
      %jit3A_279 = arith.constant 1.000000e+30 : f32
      %broadcast_in_dim3A_280 = vector.broadcast %jit3A_279 : f32 to vector<256x16xf32>
      %select_n3A_281 = arith.select %and3A_278, %broadcast_in_dim3A_280, %select_n3A_264 : vector<256x16xi1>, vector<256x16xf32>
      %reduce_min3A_282 = arith.constant dense<0x7F800000> : vector<256xf32>
      %reduce_min3A_283 = vector.multi_reduction <minimumf>, %select_n3A_281, %reduce_min3A_282 [1] : vector<256x16xf32> to vector<256xf32>
      %broadcast_in_dim3A_284 = vector.shape_cast %reduce_min3A_283 : vector<256xf32> to vector<256x1xf32>
      %eq3A_285 = vector.broadcast %broadcast_in_dim3A_284 : vector<256x1xf32> to vector<256x16xf32>
      %eq3A_286 = arith.cmpf oeq, %select_n3A_281, %eq3A_285 : vector<256x16xf32>
      %jit3A_287 = arith.constant 2.000000e+30 : f32
      %broadcast_in_dim3A_288 = vector.broadcast %jit3A_287 : f32 to vector<256x16xf32>
      %select_n3A_289 = arith.select %eq3A_286, %concatenate3A_180, %broadcast_in_dim3A_288 : vector<256x16xi1>, vector<256x16xf32>
      %reduce_min3A_290 = arith.constant dense<0x7F800000> : vector<256xf32>
      %reduce_min3A_291 = vector.multi_reduction <minimumf>, %select_n3A_289, %reduce_min3A_290 [1] : vector<256x16xf32> to vector<256xf32>
      %broadcast_in_dim3A_292 = vector.shape_cast %reduce_min3A_291 : vector<256xf32> to vector<256x1xf32>
      %eq3A_293 = vector.broadcast %broadcast_in_dim3A_292 : vector<256x1xf32> to vector<256x16xf32>
      %eq3A_294 = arith.cmpf oeq, %concatenate3A_180, %eq3A_293 : vector<256x16xf32>
      %and3A_295 = arith.andi %eq3A_286, %eq3A_294 : vector<256x16xi1>
      %jit3A_296 = arith.constant 1.000000e+30 : f32
      %broadcast_in_dim3A_297 = vector.broadcast %jit3A_296 : f32 to vector<256x16xf32>
      %select_n3A_298 = arith.select %and3A_295, %broadcast_in_dim3A_297, %select_n3A_281 : vector<256x16xi1>, vector<256x16xf32>
      %reduce_min3A_299 = arith.constant dense<0x7F800000> : vector<256xf32>
      %reduce_min3A_300 = vector.multi_reduction <minimumf>, %select_n3A_298, %reduce_min3A_299 [1] : vector<256x16xf32> to vector<256xf32>
      %broadcast_in_dim3A_301 = vector.shape_cast %reduce_min3A_300 : vector<256xf32> to vector<256x1xf32>
      %eq3A_302 = vector.broadcast %broadcast_in_dim3A_301 : vector<256x1xf32> to vector<256x16xf32>
      %eq3A_303 = arith.cmpf oeq, %select_n3A_298, %eq3A_302 : vector<256x16xf32>
      %jit3A_304 = arith.constant 2.000000e+30 : f32
      %broadcast_in_dim3A_305 = vector.broadcast %jit3A_304 : f32 to vector<256x16xf32>
      %select_n3A_306 = arith.select %eq3A_303, %concatenate3A_180, %broadcast_in_dim3A_305 : vector<256x16xi1>, vector<256x16xf32>
      %reduce_min3A_307 = arith.constant dense<0x7F800000> : vector<256xf32>
      %reduce_min3A_308 = vector.multi_reduction <minimumf>, %select_n3A_306, %reduce_min3A_307 [1] : vector<256x16xf32> to vector<256xf32>
      %broadcast_in_dim3A_309 = vector.shape_cast %reduce_min3A_308 : vector<256xf32> to vector<256x1xf32>
      %concatenate3A_310 = tpu.concatenate %broadcast_in_dim3A_183, %broadcast_in_dim3A_199, %broadcast_in_dim3A_216, %broadcast_in_dim3A_233, %broadcast_in_dim3A_250, %broadcast_in_dim3A_267, %broadcast_in_dim3A_284, %broadcast_in_dim3A_301 in 1 : vector<256x1xf32>, vector<256x1xf32>, vector<256x1xf32>, vector<256x1xf32>, vector<256x1xf32>, vector<256x1xf32>, vector<256x1xf32>, vector<256x1xf32> -> vector<256x8xf32>
      %concatenate3A_311 = tpu.concatenate %broadcast_in_dim3A_191, %broadcast_in_dim3A_207, %broadcast_in_dim3A_224, %broadcast_in_dim3A_241, %broadcast_in_dim3A_258, %broadcast_in_dim3A_275, %broadcast_in_dim3A_292, %broadcast_in_dim3A_309 in 1 : vector<256x1xf32>, vector<256x1xf32>, vector<256x1xf32>, vector<256x1xf32>, vector<256x1xf32>, vector<256x1xf32>, vector<256x1xf32>, vector<256x1xf32> -> vector<256x8xf32>
      scf.yield %concatenate3A_310, %concatenate3A_311, %add3A_51 : vector<256x8xf32>, vector<256x8xf32>, vector<256x1xi32>
    }
    %scan3A_13 = arith.constant 25 : i32
    %min3A = arith.constant 4.999900e+04 : f32
    %min3A_14 = vector.broadcast %min3A : f32 to vector<256x8xf32>
    %min3A_15 = arith.minimumf %scan3A_12#1, %min3A_14 : vector<256x8xf32>
    %convert_element_type3A_16 = arith.fptosi %min3A_15 : vector<256x8xf32> to vector<256x8xi32>
    %swap3A = arith.constant 0 : index
    %swap3A_17 = arith.constant 0 : index
    %swap3A_18 = vector.load %arg3[%swap3A, %swap3A_17] : memref<256x8xi32, #tpu.memory_space<vmem>>, vector<256x8xi32>
    tpu.vector_store %arg3[%swap3A, %swap3A_17], %convert_element_type3A_16 {strides = array<i32>} : memref<256x8xi32, #tpu.memory_space<vmem>>, vector<256x8xi32>,
    %swap3A_19 = arith.constant 0 : index
    %swap3A_20 = arith.constant 0 : index
    %swap3A_21 = vector.load %arg4[%swap3A_19, %swap3A_20] : memref<256x8xf32, #tpu.memory_space<vmem>>, vector<256x8xf32>
    tpu.vector_store %arg4[%swap3A_19, %swap3A_20], %scan3A_12#0 {strides = array<i32>} : memref<256x8xf32, #tpu.memory_space<vmem>>, vector<256x8xf32>,
    %swap3A_22 = arith.constant 0 : index
    %swap3A_23 = arith.constant 0 : index
    %swap3A_24 = vector.load %arg5[%swap3A_22, %swap3A_23] : memref<256x1xi32, #tpu.memory_space<vmem>>, vector<256x1xi32>
    tpu.vector_store %arg5[%swap3A_22, %swap3A_23], %scan3A_12#2 {strides = array<i32>} : memref<256x1xi32, #tpu.memory_space<vmem>>, vector<256x1xi32>,
    return
  }
  func.func @transform_0(%arg0: i32) -> (i32, i32) {
    %c0_i32 = arith.constant 0 : i32
    %c0_i32_0 = arith.constant 0 : i32
    return %arg0, %c0_i32 : i32, i32
  }
  func.func @transform_1(%arg0: i32) -> (i32, i32) {
    %c0_i32 = arith.constant 0 : i32
    %c0_i32_0 = arith.constant 0 : i32
    %c0_i32_1 = arith.constant 0 : i32
    return %c0_i32, %c0_i32_0 : i32, i32
  }
  func.func @transform_2(%arg0: i32) -> (i32, i32) {
    %c0_i32 = arith.constant 0 : i32
    %c0_i32_0 = arith.constant 0 : i32
    return %arg0, %c0_i32 : i32, i32
  }
  func.func @transform_3(%arg0: i32) -> (i32, i32) {
    %c0_i32 = arith.constant 0 : i32
    %c0_i32_0 = arith.constant 0 : i32
    return %arg0, %c0_i32 : i32, i32
  }
  func.func @transform_4(%arg0: i32) -> (i32, i32) {
    %c0_i32 = arith.constant 0 : i32
    %c0_i32_0 = arith.constant 0 : i32
    return %arg0, %c0_i32 : i32, i32
  }
}

module attributes {stable_mosaic.version = 14 : i64} {
  func.func @_decode_body(%arg0: i32, %arg1: memref<256x3xf32, #tpu.memory_space<vmem>>, %arg2: memref<2048x32xf32, #tpu.memory_space<vmem>>, %arg3: memref<256x8xf32, #tpu.memory_space<vmem>>, %arg4: memref<256x1xi32, #tpu.memory_space<vmem>>, %arg5: memref<8x32xf32, #tpu.memory_space<vmem>>, %arg6: memref<3x93xf32, #tpu.memory_space<vmem>>, %arg7: memref<93x128xf32, #tpu.memory_space<vmem>>, %arg8: memref<128x128xf32, #tpu.memory_space<vmem>>, %arg9: memref<128x128xf32, #tpu.memory_space<vmem>>, %arg10: memref<93x128xf32, #tpu.memory_space<vmem>>, %arg11: memref<128x128xf32, #tpu.memory_space<vmem>>, %arg12: memref<128x128xf32, #tpu.memory_space<vmem>>, %arg13: memref<32x128xf32, #tpu.memory_space<vmem>>, %arg14: memref<32x128xf32, #tpu.memory_space<vmem>>, %arg15: memref<32x128xf32, #tpu.memory_space<vmem>>, %arg16: memref<32x128xf32, #tpu.memory_space<vmem>>, %arg17: memref<32x128xf32, #tpu.memory_space<vmem>>, %arg18: memref<1x128xf32, #tpu.memory_space<vmem>>, %arg19: memref<1x128xf32, #tpu.memory_space<vmem>>, %arg20: memref<1x128xf32, #tpu.memory_space<vmem>>, %arg21: memref<1x128xf32, #tpu.memory_space<vmem>>, %arg22: memref<1x128xf32, #tpu.memory_space<vmem>>, %arg23: memref<1x128xf32, #tpu.memory_space<vmem>>, %arg24: memref<1x128xf32, #tpu.memory_space<vmem>>, %arg25: memref<1x128xf32, #tpu.memory_space<vmem>>, %arg26: memref<1x128xf32, #tpu.memory_space<vmem>>, %arg27: memref<1x128xf32, #tpu.memory_space<vmem>>, %arg28: memref<128x1xf32, #tpu.memory_space<vmem>>, %arg29: memref<1x1xf32, #tpu.memory_space<vmem>>, %arg30: memref<256x1xf32, #tpu.memory_space<vmem>>, %arg31: memref<256x1xi32, #tpu.memory_space<vmem>>, %arg32: memref<16x1xi32, #tpu.memory_space<vmem>>) attributes {dimension_semantics = [#tpu.dimension_semantics<parallel>], iteration_bounds = array<i64: 32>, scalar_prefetch = 0 : i64, scratch_operands = 0 : i64, tpu.core_type = #tpu.core_type<tc>, window_params = [{transform_indices = @transform_0, window_bounds = array<i64: 256, 3>}, {transform_indices = @transform_1, window_bounds = array<i64: 2048, 32>}, {transform_indices = @transform_2, window_bounds = array<i64: 256, 8>}, {transform_indices = @transform_3, window_bounds = array<i64: 256, 1>}, {pipeline_mode = #tpu.pipeline_mode<synchronous>, transform_indices = @transform_4, window_bounds = array<i64: 8, 32>}, {pipeline_mode = #tpu.pipeline_mode<synchronous>, transform_indices = @transform_5, window_bounds = array<i64: 3, 93>}, {pipeline_mode = #tpu.pipeline_mode<synchronous>, transform_indices = @transform_6, window_bounds = array<i64: 93, 128>}, {pipeline_mode = #tpu.pipeline_mode<synchronous>, transform_indices = @transform_7, window_bounds = array<i64: 128, 128>}, {pipeline_mode = #tpu.pipeline_mode<synchronous>, transform_indices = @transform_8, window_bounds = array<i64: 128, 128>}, {pipeline_mode = #tpu.pipeline_mode<synchronous>, transform_indices = @transform_9, window_bounds = array<i64: 93, 128>}, {pipeline_mode = #tpu.pipeline_mode<synchronous>, transform_indices = @transform_10, window_bounds = array<i64: 128, 128>}, {pipeline_mode = #tpu.pipeline_mode<synchronous>, transform_indices = @transform_11, window_bounds = array<i64: 128, 128>}, {pipeline_mode = #tpu.pipeline_mode<synchronous>, transform_indices = @transform_12, window_bounds = array<i64: 32, 128>}, {pipeline_mode = #tpu.pipeline_mode<synchronous>, transform_indices = @transform_13, window_bounds = array<i64: 32, 128>}, {pipeline_mode = #tpu.pipeline_mode<synchronous>, transform_indices = @transform_14, window_bounds = array<i64: 32, 128>}, {pipeline_mode = #tpu.pipeline_mode<synchronous>, transform_indices = @transform_15, window_bounds = array<i64: 32, 128>}, {pipeline_mode = #tpu.pipeline_mode<synchronous>, transform_indices = @transform_16, window_bounds = array<i64: 32, 128>}, {pipeline_mode = #tpu.pipeline_mode<synchronous>, transform_indices = @transform_17, window_bounds = array<i64: 1, 128>}, {pipeline_mode = #tpu.pipeline_mode<synchronous>, transform_indices = @transform_18, window_bounds = array<i64: 1, 128>}, {pipeline_mode = #tpu.pipeline_mode<synchronous>, transform_indices = @transform_19, window_bounds = array<i64: 1, 128>}, {pipeline_mode = #tpu.pipeline_mode<synchronous>, transform_indices = @transform_20, window_bounds = array<i64: 1, 128>}, {pipeline_mode = #tpu.pipeline_mode<synchronous>, transform_indices = @transform_21, window_bounds = array<i64: 1, 128>}, {pipeline_mode = #tpu.pipeline_mode<synchronous>, transform_indices = @transform_22, window_bounds = array<i64: 1, 128>}, {pipeline_mode = #tpu.pipeline_mode<synchronous>, transform_indices = @transform_23, window_bounds = array<i64: 1, 128>}, {pipeline_mode = #tpu.pipeline_mode<synchronous>, transform_indices = @transform_24, window_bounds = array<i64: 1, 128>}, {pipeline_mode = #tpu.pipeline_mode<synchronous>, transform_indices = @transform_25, window_bounds = array<i64: 1, 128>}, {pipeline_mode = #tpu.pipeline_mode<synchronous>, transform_indices = @transform_26, window_bounds = array<i64: 1, 128>}, {pipeline_mode = #tpu.pipeline_mode<synchronous>, transform_indices = @transform_27, window_bounds = array<i64: 128, 1>}, {pipeline_mode = #tpu.pipeline_mode<synchronous>, transform_indices = @transform_28, window_bounds = array<i64: 1, 1>}, {transform_indices = @transform_29, window_bounds = array<i64: 256, 1>}, {transform_indices = @transform_30, window_bounds = array<i64: 256, 1>}, {transform_indices = @transform_31, window_bounds = array<i64: 16, 1>}]} {
    %get3A = arith.constant 0 : index
    %get3A_0 = arith.constant 0 : index
    %get3A_1 = vector.load %arg1[%get3A, %get3A_0] : memref<256x3xf32, #tpu.memory_space<vmem>>, vector<256x3xf32>
    %get3A_2 = arith.constant 0 : index
    %get3A_3 = arith.constant 0 : index
    %get3A_4 = vector.load %arg2[%get3A_2, %get3A_3] : memref<2048x32xf32, #tpu.memory_space<vmem>>, vector<2048x32xf32>
    %reshape3A = vector.shape_cast %get3A_4 : vector<2048x32xf32> to vector<256x8x32xf32>
    %get3A_5 = arith.constant 0 : index
    %get3A_6 = arith.constant 0 : index
    %get3A_7 = vector.load %arg4[%get3A_5, %get3A_6] : memref<256x1xi32, #tpu.memory_space<vmem>>, vector<256x1xi32>
    %get3A_8 = arith.constant 0 : index
    %get3A_9 = arith.constant 0 : index
    %get3A_10 = vector.load %arg3[%get3A_8, %get3A_9] : memref<256x8xf32, #tpu.memory_space<vmem>>, vector<256x8xf32>
    %max3A = arith.constant 0.000000e+00 : f32
    %max3A_11 = vector.broadcast %max3A : f32 to vector<256x8xf32>
    %max3A_12 = arith.maximumf %get3A_10, %max3A_11 : vector<256x8xf32>
    %iota3A = tpu.iota {dimensions = array<i32: 1>} : vector<256x8xi32>
    %min3A = arith.constant 8 : i32
    %min3A_13 = vector.broadcast %min3A : i32 to vector<256x1xi32>
    %min3A_14 = arith.minsi %get3A_7, %min3A_13 : vector<256x1xi32>
    %lt3A = vector.broadcast %min3A_14 : vector<256x1xi32> to vector<256x8xi32>
    %lt3A_15 = arith.cmpi slt, %iota3A, %lt3A : vector<256x8xi32>
    %le3A = arith.constant 6.400000e-03 : f32
    %le3A_16 = vector.broadcast %le3A : f32 to vector<256x8xf32>
    %le3A_17 = arith.cmpf ole, %max3A_12, %le3A_16 : vector<256x8xf32>
    %and3A = arith.andi %lt3A_15, %le3A_17 : vector<256x8xi1>
    %add3A = arith.constant 1.000000e-10 : f32
    %add3A_18 = vector.broadcast %add3A : f32 to vector<256x8xf32>
    %add3A_19 = arith.addf %max3A_12, %add3A_18 : vector<256x8xf32>
    %div3A = arith.constant 1.000000e+00 : f32
    %div3A_20 = vector.broadcast %div3A : f32 to vector<256x8xf32>
    %div3A_21 = arith.divf %div3A_20, %add3A_19 : vector<256x8xf32>
    %jit3A = arith.constant 0.000000e+00 : f32
    %broadcast_in_dim3A = vector.broadcast %jit3A : f32 to vector<256x8xf32>
    %select_n3A = arith.select %and3A, %div3A_21, %broadcast_in_dim3A : vector<256x8xi1>, vector<256x8xf32>
    %reduce_sum3A = arith.constant dense<0.000000e+00> : vector<256xf32>
    %reduce_sum3A_22 = vector.multi_reduction <add>, %select_n3A, %reduce_sum3A [1] : vector<256x8xf32> to vector<256xf32>
    %broadcast_in_dim3A_23 = vector.shape_cast %reduce_sum3A_22 : vector<256xf32> to vector<256x1xf32>
    %max3A_24 = arith.constant 9.99999996E-13 : f32
    %max3A_25 = vector.broadcast %max3A_24 : f32 to vector<256x1xf32>
    %max3A_26 = arith.maximumf %broadcast_in_dim3A_23, %max3A_25 : vector<256x1xf32>
    %div3A_27 = vector.broadcast %max3A_26 : vector<256x1xf32> to vector<256x8xf32>
    %div3A_28 = arith.divf %select_n3A, %div3A_27 : vector<256x8xf32>
    %broadcast_in_dim3A_29 = vector.shape_cast %div3A_28 : vector<256x8xf32> to vector<256x8x1xf32>
    %mul3A = vector.broadcast %broadcast_in_dim3A_29 : vector<256x8x1xf32> to vector<256x8x32xf32>
    %mul3A_30 = arith.mulf %reshape3A, %mul3A : vector<256x8x32xf32>
    %reduce_sum3A_31 = arith.constant dense<0.000000e+00> : vector<256x32xf32>
    %reduce_sum3A_32 = vector.multi_reduction <add>, %mul3A_30, %reduce_sum3A_31 [1] : vector<256x8x32xf32> to vector<256x32xf32>
    %ge3A = arith.constant 2 : i32
    %ge3A_33 = vector.broadcast %ge3A : i32 to vector<256x1xi32>
    %ge3A_34 = arith.cmpi sge, %get3A_7, %ge3A_33 : vector<256x1xi32>
    %get3A_35 = arith.constant 0 : index
    %get3A_36 = arith.constant 0 : index
    %get3A_37 = vector.load %arg5[%get3A_35, %get3A_36] : memref<8x32xf32, #tpu.memory_space<vmem>>, vector<1x32xf32>
    %broadcast_in_dim3A_38 = vector.shape_cast %ge3A_34 : vector<256x1xi1> to vector<256x1xi1>
    %broadcast_in_dim3A_39 = vector.broadcast %broadcast_in_dim3A_38 : vector<256x1xi1> to vector<256x32xi1>
    %broadcast_in_dim3A_40 = vector.shape_cast %get3A_37 : vector<1x32xf32> to vector<1x32xf32>
    %broadcast_in_dim3A_41 = vector.broadcast %broadcast_in_dim3A_40 : vector<1x32xf32> to vector<256x32xf32>
    %select_n3A_42 = arith.select %broadcast_in_dim3A_39, %reduce_sum3A_32, %broadcast_in_dim3A_41 : vector<256x32xi1>, vector<256x32xf32>
    %get3A_43 = arith.constant 0 : index
    %get3A_44 = arith.constant 0 : index
    %get3A_45 = vector.load %arg6[%get3A_43, %get3A_44] : memref<3x93xf32, #tpu.memory_space<vmem>>, vector<3x93xf32>
    %convert_element_type3A = arith.truncf %get3A_1 : vector<256x3xf32> to vector<256x3xbf16>
    %convert_element_type3A_46 = arith.truncf %get3A_45 : vector<3x93xf32> to vector<3x93xbf16>
    %dot_general3A = arith.constant dense<0.000000e+00> : vector<256x93xf32>
    %dot_general3A_47 = tpu.matmul %convert_element_type3A, %convert_element_type3A_46, %dot_general3A {dimension_numbers = #tpu.dot_dimension_numbers<[1], [0], [0], [1], [0, 0, 1, 1], [], []>, transpose_lhs_hint = false} : vector<256x3xbf16>, vector<3x93xbf16>, vector<256x93xf32> -> vector<256x93xf32>
    %mul3A_48 = arith.constant 6.28318548 : f32
    %mul3A_49 = vector.broadcast %mul3A_48 : f32 to vector<256x93xf32>
    %mul3A_50 = arith.mulf %mul3A_49, %dot_general3A_47 : vector<256x93xf32>
    %sin3A = math.sin %mul3A_50 : vector<256x93xf32>
    %get3A_51 = arith.constant 0 : index
    %get3A_52 = arith.constant 0 : index
    %get3A_53 = vector.load %arg7[%get3A_51, %get3A_52] : memref<93x128xf32, #tpu.memory_space<vmem>>, vector<93x128xf32>
    %convert_element_type3A_54 = arith.truncf %sin3A : vector<256x93xf32> to vector<256x93xbf16>
    %convert_element_type3A_55 = arith.truncf %get3A_53 : vector<93x128xf32> to vector<93x128xbf16>
    %dot_general3A_56 = arith.constant dense<0.000000e+00> : vector<256x128xf32>
    %dot_general3A_57 = tpu.matmul %convert_element_type3A_54, %convert_element_type3A_55, %dot_general3A_56 {dimension_numbers = #tpu.dot_dimension_numbers<[1], [0], [0], [1], [0, 0, 1, 1], [], []>, transpose_lhs_hint = false} : vector<256x93xbf16>, vector<93x128xbf16>, vector<256x128xf32> -> vector<256x128xf32>
    %get3A_58 = arith.constant 0 : index
    %get3A_59 = arith.constant 0 : index
    %get3A_60 = vector.load %arg18[%get3A_58, %get3A_59] : memref<1x128xf32, #tpu.memory_space<vmem>>, vector<1x128xf32>
    %add3A_61 = vector.broadcast %get3A_60 : vector<1x128xf32> to vector<256x128xf32>
    %add3A_62 = arith.addf %dot_general3A_57, %add3A_61 : vector<256x128xf32>
    %max3A_63 = arith.constant 0.000000e+00 : f32
    %max3A_64 = vector.broadcast %max3A_63 : f32 to vector<256x128xf32>
    %max3A_65 = arith.maximumf %add3A_62, %max3A_64 : vector<256x128xf32>
    %get3A_66 = arith.constant 0 : index
    %get3A_67 = arith.constant 0 : index
    %get3A_68 = vector.load %arg13[%get3A_66, %get3A_67] : memref<32x128xf32, #tpu.memory_space<vmem>>, vector<32x128xf32>
    %convert_element_type3A_69 = arith.truncf %select_n3A_42 : vector<256x32xf32> to vector<256x32xbf16>
    %convert_element_type3A_70 = arith.truncf %get3A_68 : vector<32x128xf32> to vector<32x128xbf16>
    %dot_general3A_71 = arith.constant dense<0.000000e+00> : vector<256x128xf32>
    %dot_general3A_72 = tpu.matmul %convert_element_type3A_69, %convert_element_type3A_70, %dot_general3A_71 {dimension_numbers = #tpu.dot_dimension_numbers<[1], [0], [0], [1], [0, 0, 1, 1], [], []>, transpose_lhs_hint = false} : vector<256x32xbf16>, vector<32x128xbf16>, vector<256x128xf32> -> vector<256x128xf32>
    %add3A_73 = arith.addf %max3A_65, %dot_general3A_72 : vector<256x128xf32>
    %get3A_74 = arith.constant 0 : index
    %get3A_75 = arith.constant 0 : index
    %get3A_76 = vector.load %arg23[%get3A_74, %get3A_75] : memref<1x128xf32, #tpu.memory_space<vmem>>, vector<1x128xf32>
    %add3A_77 = vector.broadcast %get3A_76 : vector<1x128xf32> to vector<256x128xf32>
    %add3A_78 = arith.addf %add3A_73, %add3A_77 : vector<256x128xf32>
    %get3A_79 = arith.constant 0 : index
    %get3A_80 = arith.constant 0 : index
    %get3A_81 = vector.load %arg8[%get3A_79, %get3A_80] : memref<128x128xf32, #tpu.memory_space<vmem>>, vector<128x128xf32>
    %convert_element_type3A_82 = arith.truncf %add3A_78 : vector<256x128xf32> to vector<256x128xbf16>
    %convert_element_type3A_83 = arith.truncf %get3A_81 : vector<128x128xf32> to vector<128x128xbf16>
    %dot_general3A_84 = arith.constant dense<0.000000e+00> : vector<256x128xf32>
    %dot_general3A_85 = tpu.matmul %convert_element_type3A_82, %convert_element_type3A_83, %dot_general3A_84 {dimension_numbers = #tpu.dot_dimension_numbers<[1], [0], [0], [1], [0, 0, 1, 1], [], []>, transpose_lhs_hint = false} : vector<256x128xbf16>, vector<128x128xbf16>, vector<256x128xf32> -> vector<256x128xf32>
    %get3A_86 = arith.constant 0 : index
    %get3A_87 = arith.constant 0 : index
    %get3A_88 = vector.load %arg19[%get3A_86, %get3A_87] : memref<1x128xf32, #tpu.memory_space<vmem>>, vector<1x128xf32>
    %add3A_89 = vector.broadcast %get3A_88 : vector<1x128xf32> to vector<256x128xf32>
    %add3A_90 = arith.addf %dot_general3A_85, %add3A_89 : vector<256x128xf32>
    %max3A_91 = arith.constant 0.000000e+00 : f32
    %max3A_92 = vector.broadcast %max3A_91 : f32 to vector<256x128xf32>
    %max3A_93 = arith.maximumf %add3A_90, %max3A_92 : vector<256x128xf32>
    %get3A_94 = arith.constant 0 : index
    %get3A_95 = arith.constant 0 : index
    %get3A_96 = vector.load %arg14[%get3A_94, %get3A_95] : memref<32x128xf32, #tpu.memory_space<vmem>>, vector<32x128xf32>
    %convert_element_type3A_97 = arith.truncf %select_n3A_42 : vector<256x32xf32> to vector<256x32xbf16>
    %convert_element_type3A_98 = arith.truncf %get3A_96 : vector<32x128xf32> to vector<32x128xbf16>
    %dot_general3A_99 = arith.constant dense<0.000000e+00> : vector<256x128xf32>
    %dot_general3A_100 = tpu.matmul %convert_element_type3A_97, %convert_element_type3A_98, %dot_general3A_99 {dimension_numbers = #tpu.dot_dimension_numbers<[1], [0], [0], [1], [0, 0, 1, 1], [], []>, transpose_lhs_hint = false} : vector<256x32xbf16>, vector<32x128xbf16>, vector<256x128xf32> -> vector<256x128xf32>
    %add3A_101 = arith.addf %max3A_93, %dot_general3A_100 : vector<256x128xf32>
    %get3A_102 = arith.constant 0 : index
    %get3A_103 = arith.constant 0 : index
    %get3A_104 = vector.load %arg24[%get3A_102, %get3A_103] : memref<1x128xf32, #tpu.memory_space<vmem>>, vector<1x128xf32>
    %add3A_105 = vector.broadcast %get3A_104 : vector<1x128xf32> to vector<256x128xf32>
    %add3A_106 = arith.addf %add3A_101, %add3A_105 : vector<256x128xf32>
    %get3A_107 = arith.constant 0 : index
    %get3A_108 = arith.constant 0 : index
    %get3A_109 = vector.load %arg9[%get3A_107, %get3A_108] : memref<128x128xf32, #tpu.memory_space<vmem>>, vector<128x128xf32>
    %convert_element_type3A_110 = arith.truncf %add3A_106 : vector<256x128xf32> to vector<256x128xbf16>
    %convert_element_type3A_111 = arith.truncf %get3A_109 : vector<128x128xf32> to vector<128x128xbf16>
    %dot_general3A_112 = arith.constant dense<0.000000e+00> : vector<256x128xf32>
    %dot_general3A_113 = tpu.matmul %convert_element_type3A_110, %convert_element_type3A_111, %dot_general3A_112 {dimension_numbers = #tpu.dot_dimension_numbers<[1], [0], [0], [1], [0, 0, 1, 1], [], []>, transpose_lhs_hint = false} : vector<256x128xbf16>, vector<128x128xbf16>, vector<256x128xf32> -> vector<256x128xf32>
    %get3A_114 = arith.constant 0 : index
    %get3A_115 = arith.constant 0 : index
    %get3A_116 = vector.load %arg20[%get3A_114, %get3A_115] : memref<1x128xf32, #tpu.memory_space<vmem>>, vector<1x128xf32>
    %add3A_117 = vector.broadcast %get3A_116 : vector<1x128xf32> to vector<256x128xf32>
    %add3A_118 = arith.addf %dot_general3A_113, %add3A_117 : vector<256x128xf32>
    %max3A_119 = arith.constant 0.000000e+00 : f32
    %max3A_120 = vector.broadcast %max3A_119 : f32 to vector<256x128xf32>
    %max3A_121 = arith.maximumf %add3A_118, %max3A_120 : vector<256x128xf32>
    %get3A_122 = arith.constant 0 : index
    %get3A_123 = arith.constant 0 : index
    %get3A_124 = vector.load %arg15[%get3A_122, %get3A_123] : memref<32x128xf32, #tpu.memory_space<vmem>>, vector<32x128xf32>
    %convert_element_type3A_125 = arith.truncf %select_n3A_42 : vector<256x32xf32> to vector<256x32xbf16>
    %convert_element_type3A_126 = arith.truncf %get3A_124 : vector<32x128xf32> to vector<32x128xbf16>
    %dot_general3A_127 = arith.constant dense<0.000000e+00> : vector<256x128xf32>
    %dot_general3A_128 = tpu.matmul %convert_element_type3A_125, %convert_element_type3A_126, %dot_general3A_127 {dimension_numbers = #tpu.dot_dimension_numbers<[1], [0], [0], [1], [0, 0, 1, 1], [], []>, transpose_lhs_hint = false} : vector<256x32xbf16>, vector<32x128xbf16>, vector<256x128xf32> -> vector<256x128xf32>
    %add3A_129 = arith.addf %max3A_121, %dot_general3A_128 : vector<256x128xf32>
    %get3A_130 = arith.constant 0 : index
    %get3A_131 = arith.constant 0 : index
    %get3A_132 = vector.load %arg25[%get3A_130, %get3A_131] : memref<1x128xf32, #tpu.memory_space<vmem>>, vector<1x128xf32>
    %add3A_133 = vector.broadcast %get3A_132 : vector<1x128xf32> to vector<256x128xf32>
    %add3A_134 = arith.addf %add3A_129, %add3A_133 : vector<256x128xf32>
    %get3A_135 = arith.constant 0 : index
    %get3A_136 = arith.constant 0 : index
    %get3A_137 = vector.load %arg10[%get3A_135, %get3A_136] : memref<93x128xf32, #tpu.memory_space<vmem>>, vector<93x128xf32>
    %convert_element_type3A_138 = arith.truncf %sin3A : vector<256x93xf32> to vector<256x93xbf16>
    %convert_element_type3A_139 = arith.truncf %get3A_137 : vector<93x128xf32> to vector<93x128xbf16>
    %dot_general3A_140 = arith.constant dense<0.000000e+00> : vector<256x128xf32>
    %dot_general3A_141 = tpu.matmul %convert_element_type3A_138, %convert_element_type3A_139, %dot_general3A_140 {dimension_numbers = #tpu.dot_dimension_numbers<[1], [0], [0], [1], [0, 0, 1, 1], [], []>, transpose_lhs_hint = false} : vector<256x93xbf16>, vector<93x128xbf16>, vector<256x128xf32> -> vector<256x128xf32>
    %get3A_142 = arith.constant 0 : index
    %get3A_143 = arith.constant 0 : index
    %get3A_144 = vector.load %arg11[%get3A_142, %get3A_143] : memref<128x128xf32, #tpu.memory_space<vmem>>, vector<128x128xf32>
    %convert_element_type3A_145 = arith.truncf %add3A_134 : vector<256x128xf32> to vector<256x128xbf16>
    %convert_element_type3A_146 = arith.truncf %get3A_144 : vector<128x128xf32> to vector<128x128xbf16>
    %dot_general3A_147 = arith.constant dense<0.000000e+00> : vector<256x128xf32>
    %dot_general3A_148 = tpu.matmul %convert_element_type3A_145, %convert_element_type3A_146, %dot_general3A_147 {dimension_numbers = #tpu.dot_dimension_numbers<[1], [0], [0], [1], [0, 0, 1, 1], [], []>, transpose_lhs_hint = false} : vector<256x128xbf16>, vector<128x128xbf16>, vector<256x128xf32> -> vector<256x128xf32>
    %add3A_149 = arith.addf %dot_general3A_141, %dot_general3A_148 : vector<256x128xf32>
    %get3A_150 = arith.constant 0 : index
    %get3A_151 = arith.constant 0 : index
    %get3A_152 = vector.load %arg21[%get3A_150, %get3A_151] : memref<1x128xf32, #tpu.memory_space<vmem>>, vector<1x128xf32>
    %add3A_153 = vector.broadcast %get3A_152 : vector<1x128xf32> to vector<256x128xf32>
    %add3A_154 = arith.addf %add3A_149, %add3A_153 : vector<256x128xf32>
    %max3A_155 = arith.constant 0.000000e+00 : f32
    %max3A_156 = vector.broadcast %max3A_155 : f32 to vector<256x128xf32>
    %max3A_157 = arith.maximumf %add3A_154, %max3A_156 : vector<256x128xf32>
    %get3A_158 = arith.constant 0 : index
    %get3A_159 = arith.constant 0 : index
    %get3A_160 = vector.load %arg16[%get3A_158, %get3A_159] : memref<32x128xf32, #tpu.memory_space<vmem>>, vector<32x128xf32>
    %convert_element_type3A_161 = arith.truncf %select_n3A_42 : vector<256x32xf32> to vector<256x32xbf16>
    %convert_element_type3A_162 = arith.truncf %get3A_160 : vector<32x128xf32> to vector<32x128xbf16>
    %dot_general3A_163 = arith.constant dense<0.000000e+00> : vector<256x128xf32>
    %dot_general3A_164 = tpu.matmul %convert_element_type3A_161, %convert_element_type3A_162, %dot_general3A_163 {dimension_numbers = #tpu.dot_dimension_numbers<[1], [0], [0], [1], [0, 0, 1, 1], [], []>, transpose_lhs_hint = false} : vector<256x32xbf16>, vector<32x128xbf16>, vector<256x128xf32> -> vector<256x128xf32>
    %add3A_165 = arith.addf %max3A_157, %dot_general3A_164 : vector<256x128xf32>
    %get3A_166 = arith.constant 0 : index
    %get3A_167 = arith.constant 0 : index
    %get3A_168 = vector.load %arg26[%get3A_166, %get3A_167] : memref<1x128xf32, #tpu.memory_space<vmem>>, vector<1x128xf32>
    %add3A_169 = vector.broadcast %get3A_168 : vector<1x128xf32> to vector<256x128xf32>
    %add3A_170 = arith.addf %add3A_165, %add3A_169 : vector<256x128xf32>
    %get3A_171 = arith.constant 0 : index
    %get3A_172 = arith.constant 0 : index
    %get3A_173 = vector.load %arg12[%get3A_171, %get3A_172] : memref<128x128xf32, #tpu.memory_space<vmem>>, vector<128x128xf32>
    %convert_element_type3A_174 = arith.truncf %add3A_170 : vector<256x128xf32> to vector<256x128xbf16>
    %convert_element_type3A_175 = arith.truncf %get3A_173 : vector<128x128xf32> to vector<128x128xbf16>
    %dot_general3A_176 = arith.constant dense<0.000000e+00> : vector<256x128xf32>
    %dot_general3A_177 = tpu.matmul %convert_element_type3A_174, %convert_element_type3A_175, %dot_general3A_176 {dimension_numbers = #tpu.dot_dimension_numbers<[1], [0], [0], [1], [0, 0, 1, 1], [], []>, transpose_lhs_hint = false} : vector<256x128xbf16>, vector<128x128xbf16>, vector<256x128xf32> -> vector<256x128xf32>
    %get3A_178 = arith.constant 0 : index
    %get3A_179 = arith.constant 0 : index
    %get3A_180 = vector.load %arg22[%get3A_178, %get3A_179] : memref<1x128xf32, #tpu.memory_space<vmem>>, vector<1x128xf32>
    %add3A_181 = vector.broadcast %get3A_180 : vector<1x128xf32> to vector<256x128xf32>
    %add3A_182 = arith.addf %dot_general3A_177, %add3A_181 : vector<256x128xf32>
    %max3A_183 = arith.constant 0.000000e+00 : f32
    %max3A_184 = vector.broadcast %max3A_183 : f32 to vector<256x128xf32>
    %max3A_185 = arith.maximumf %add3A_182, %max3A_184 : vector<256x128xf32>
    %get3A_186 = arith.constant 0 : index
    %get3A_187 = arith.constant 0 : index
    %get3A_188 = vector.load %arg17[%get3A_186, %get3A_187] : memref<32x128xf32, #tpu.memory_space<vmem>>, vector<32x128xf32>
    %convert_element_type3A_189 = arith.truncf %select_n3A_42 : vector<256x32xf32> to vector<256x32xbf16>
    %convert_element_type3A_190 = arith.truncf %get3A_188 : vector<32x128xf32> to vector<32x128xbf16>
    %dot_general3A_191 = arith.constant dense<0.000000e+00> : vector<256x128xf32>
    %dot_general3A_192 = tpu.matmul %convert_element_type3A_189, %convert_element_type3A_190, %dot_general3A_191 {dimension_numbers = #tpu.dot_dimension_numbers<[1], [0], [0], [1], [0, 0, 1, 1], [], []>, transpose_lhs_hint = false} : vector<256x32xbf16>, vector<32x128xbf16>, vector<256x128xf32> -> vector<256x128xf32>
    %add3A_193 = arith.addf %max3A_185, %dot_general3A_192 : vector<256x128xf32>
    %get3A_194 = arith.constant 0 : index
    %get3A_195 = arith.constant 0 : index
    %get3A_196 = vector.load %arg27[%get3A_194, %get3A_195] : memref<1x128xf32, #tpu.memory_space<vmem>>, vector<1x128xf32>
    %add3A_197 = vector.broadcast %get3A_196 : vector<1x128xf32> to vector<256x128xf32>
    %add3A_198 = arith.addf %add3A_193, %add3A_197 : vector<256x128xf32>
    %get3A_199 = arith.constant 0 : index
    %get3A_200 = arith.constant 0 : index
    %get3A_201 = vector.load %arg28[%get3A_199, %get3A_200] : memref<128x1xf32, #tpu.memory_space<vmem>>, vector<128x1xf32>
    %convert_element_type3A_202 = arith.truncf %add3A_198 : vector<256x128xf32> to vector<256x128xbf16>
    %convert_element_type3A_203 = arith.truncf %get3A_201 : vector<128x1xf32> to vector<128x1xbf16>
    %dot_general3A_204 = arith.constant dense<0.000000e+00> : vector<256x1xf32>
    %dot_general3A_205 = tpu.matmul %convert_element_type3A_202, %convert_element_type3A_203, %dot_general3A_204 {dimension_numbers = #tpu.dot_dimension_numbers<[1], [0], [0], [1], [0, 0, 1, 1], [], []>, transpose_lhs_hint = false} : vector<256x128xbf16>, vector<128x1xbf16>, vector<256x1xf32> -> vector<256x1xf32>
    %get3A_206 = arith.constant 0 : index
    %get3A_207 = arith.constant 0 : index
    %get3A_208 = vector.load %arg29[%get3A_206, %get3A_207] : memref<1x1xf32, #tpu.memory_space<vmem>>, vector<1x1xf32>
    %add3A_209 = vector.broadcast %get3A_208 : vector<1x1xf32> to vector<256x1xf32>
    %add3A_210 = arith.addf %dot_general3A_205, %add3A_209 : vector<256x1xf32>
    %swap3A = arith.constant 0 : index
    %swap3A_211 = arith.constant 0 : index
    %swap3A_212 = vector.load %arg30[%swap3A, %swap3A_211] : memref<256x1xf32, #tpu.memory_space<vmem>>, vector<256x1xf32>
    tpu.vector_store %arg30[%swap3A, %swap3A_211], %add3A_210 {strides = array<i32>} : memref<256x1xf32, #tpu.memory_space<vmem>>, vector<256x1xf32>,
    %convert_element_type3A_213 = arith.extui %ge3A_34 : vector<256x1xi1> to vector<256x1xi32>
    %swap3A_214 = arith.constant 0 : index
    %swap3A_215 = arith.constant 0 : index
    %swap3A_216 = vector.load %arg31[%swap3A_214, %swap3A_215] : memref<256x1xi32, #tpu.memory_space<vmem>>, vector<256x1xi32>
    tpu.vector_store %arg31[%swap3A_214, %swap3A_215], %convert_element_type3A_213 {strides = array<i32>} : memref<256x1xi32, #tpu.memory_space<vmem>>, vector<256x1xi32>,
    %reshape3A_217 = vector.shape_cast %convert_element_type3A_213 : vector<256x1xi32> to vector<16x16xi32>
    %reduce_sum3A_218 = arith.constant dense<0> : vector<16xi32>
    %reduce_sum3A_219 = vector.multi_reduction <add>, %reshape3A_217, %reduce_sum3A_218 [1] : vector<16x16xi32> to vector<16xi32>
    %broadcast_in_dim3A_220 = vector.shape_cast %reduce_sum3A_219 : vector<16xi32> to vector<16x1xi32>
    %swap3A_221 = arith.constant 0 : index
    %swap3A_222 = arith.constant 0 : index
    %swap3A_223 = vector.load %arg32[%swap3A_221, %swap3A_222] : memref<16x1xi32, #tpu.memory_space<vmem>>, vector<16x1xi32>
    tpu.vector_store %arg32[%swap3A_221, %swap3A_222], %broadcast_in_dim3A_220 {strides = array<i32>} : memref<16x1xi32, #tpu.memory_space<vmem>>, vector<16x1xi32>,
    return
  }
  func.func @transform_0(%arg0: i32) -> (i32, i32) {
    %c0_i32 = arith.constant 0 : i32
    %c0_i32_0 = arith.constant 0 : i32
    return %arg0, %c0_i32 : i32, i32
  }
  func.func @transform_1(%arg0: i32) -> (i32, i32) {
    %c0_i32 = arith.constant 0 : i32
    %c0_i32_0 = arith.constant 0 : i32
    return %arg0, %c0_i32 : i32, i32
  }
  func.func @transform_2(%arg0: i32) -> (i32, i32) {
    %c0_i32 = arith.constant 0 : i32
    %c0_i32_0 = arith.constant 0 : i32
    return %arg0, %c0_i32 : i32, i32
  }
  func.func @transform_3(%arg0: i32) -> (i32, i32) {
    %c0_i32 = arith.constant 0 : i32
    %c0_i32_0 = arith.constant 0 : i32
    return %arg0, %c0_i32 : i32, i32
  }
  func.func @transform_4(%arg0: i32) -> (i32, i32) {
    %c0_i32 = arith.constant 0 : i32
    %c0_i32_0 = arith.constant 0 : i32
    %c0_i32_1 = arith.constant 0 : i32
    return %c0_i32, %c0_i32_0 : i32, i32
  }
  func.func @transform_5(%arg0: i32) -> (i32, i32) {
    %c0_i32 = arith.constant 0 : i32
    %c0_i32_0 = arith.constant 0 : i32
    %c0_i32_1 = arith.constant 0 : i32
    return %c0_i32, %c0_i32_0 : i32, i32
  }
  func.func @transform_6(%arg0: i32) -> (i32, i32) {
    %c0_i32 = arith.constant 0 : i32
    %c0_i32_0 = arith.constant 0 : i32
    %c0_i32_1 = arith.constant 0 : i32
    return %c0_i32, %c0_i32_0 : i32, i32
  }
  func.func @transform_7(%arg0: i32) -> (i32, i32) {
    %c0_i32 = arith.constant 0 : i32
    %c0_i32_0 = arith.constant 0 : i32
    %c0_i32_1 = arith.constant 0 : i32
    return %c0_i32, %c0_i32_0 : i32, i32
  }
  func.func @transform_8(%arg0: i32) -> (i32, i32) {
    %c0_i32 = arith.constant 0 : i32
    %c0_i32_0 = arith.constant 0 : i32
    %c0_i32_1 = arith.constant 0 : i32
    return %c0_i32, %c0_i32_0 : i32, i32
  }
  func.func @transform_9(%arg0: i32) -> (i32, i32) {
    %c0_i32 = arith.constant 0 : i32
    %c0_i32_0 = arith.constant 0 : i32
    %c0_i32_1 = arith.constant 0 : i32
    return %c0_i32, %c0_i32_0 : i32, i32
  }
  func.func @transform_10(%arg0: i32) -> (i32, i32) {
    %c0_i32 = arith.constant 0 : i32
    %c0_i32_0 = arith.constant 0 : i32
    %c0_i32_1 = arith.constant 0 : i32
    return %c0_i32, %c0_i32_0 : i32, i32
  }
  func.func @transform_11(%arg0: i32) -> (i32, i32) {
    %c0_i32 = arith.constant 0 : i32
    %c0_i32_0 = arith.constant 0 : i32
    %c0_i32_1 = arith.constant 0 : i32
    return %c0_i32, %c0_i32_0 : i32, i32
  }
  func.func @transform_12(%arg0: i32) -> (i32, i32) {
    %c0_i32 = arith.constant 0 : i32
    %c0_i32_0 = arith.constant 0 : i32
    %c0_i32_1 = arith.constant 0 : i32
    return %c0_i32, %c0_i32_0 : i32, i32
  }
  func.func @transform_13(%arg0: i32) -> (i32, i32) {
    %c0_i32 = arith.constant 0 : i32
    %c0_i32_0 = arith.constant 0 : i32
    %c0_i32_1 = arith.constant 0 : i32
    return %c0_i32, %c0_i32_0 : i32, i32
  }
  func.func @transform_14(%arg0: i32) -> (i32, i32) {
    %c0_i32 = arith.constant 0 : i32
    %c0_i32_0 = arith.constant 0 : i32
    %c0_i32_1 = arith.constant 0 : i32
    return %c0_i32, %c0_i32_0 : i32, i32
  }
  func.func @transform_15(%arg0: i32) -> (i32, i32) {
    %c0_i32 = arith.constant 0 : i32
    %c0_i32_0 = arith.constant 0 : i32
    %c0_i32_1 = arith.constant 0 : i32
    return %c0_i32, %c0_i32_0 : i32, i32
  }
  func.func @transform_16(%arg0: i32) -> (i32, i32) {
    %c0_i32 = arith.constant 0 : i32
    %c0_i32_0 = arith.constant 0 : i32
    %c0_i32_1 = arith.constant 0 : i32
    return %c0_i32, %c0_i32_0 : i32, i32
  }
  func.func @transform_17(%arg0: i32) -> (i32, i32) {
    %c0_i32 = arith.constant 0 : i32
    %c0_i32_0 = arith.constant 0 : i32
    %c0_i32_1 = arith.constant 0 : i32
    return %c0_i32, %c0_i32_0 : i32, i32
  }
  func.func @transform_18(%arg0: i32) -> (i32, i32) {
    %c0_i32 = arith.constant 0 : i32
    %c0_i32_0 = arith.constant 0 : i32
    %c0_i32_1 = arith.constant 0 : i32
    return %c0_i32, %c0_i32_0 : i32, i32
  }
  func.func @transform_19(%arg0: i32) -> (i32, i32) {
    %c0_i32 = arith.constant 0 : i32
    %c0_i32_0 = arith.constant 0 : i32
    %c0_i32_1 = arith.constant 0 : i32
    return %c0_i32, %c0_i32_0 : i32, i32
  }
  func.func @transform_20(%arg0: i32) -> (i32, i32) {
    %c0_i32 = arith.constant 0 : i32
    %c0_i32_0 = arith.constant 0 : i32
    %c0_i32_1 = arith.constant 0 : i32
    return %c0_i32, %c0_i32_0 : i32, i32
  }
  func.func @transform_21(%arg0: i32) -> (i32, i32) {
    %c0_i32 = arith.constant 0 : i32
    %c0_i32_0 = arith.constant 0 : i32
    %c0_i32_1 = arith.constant 0 : i32
    return %c0_i32, %c0_i32_0 : i32, i32
  }
  func.func @transform_22(%arg0: i32) -> (i32, i32) {
    %c0_i32 = arith.constant 0 : i32
    %c0_i32_0 = arith.constant 0 : i32
    %c0_i32_1 = arith.constant 0 : i32
    return %c0_i32, %c0_i32_0 : i32, i32
  }
  func.func @transform_23(%arg0: i32) -> (i32, i32) {
    %c0_i32 = arith.constant 0 : i32
    %c0_i32_0 = arith.constant 0 : i32
    %c0_i32_1 = arith.constant 0 : i32
    return %c0_i32, %c0_i32_0 : i32, i32
  }
  func.func @transform_24(%arg0: i32) -> (i32, i32) {
    %c0_i32 = arith.constant 0 : i32
    %c0_i32_0 = arith.constant 0 : i32
    %c0_i32_1 = arith.constant 0 : i32
    return %c0_i32, %c0_i32_0 : i32, i32
  }
  func.func @transform_25(%arg0: i32) -> (i32, i32) {
    %c0_i32 = arith.constant 0 : i32
    %c0_i32_0 = arith.constant 0 : i32
    %c0_i32_1 = arith.constant 0 : i32
    return %c0_i32, %c0_i32_0 : i32, i32
  }
  func.func @transform_26(%arg0: i32) -> (i32, i32) {
    %c0_i32 = arith.constant 0 : i32
    %c0_i32_0 = arith.constant 0 : i32
    %c0_i32_1 = arith.constant 0 : i32
    return %c0_i32, %c0_i32_0 : i32, i32
  }
  func.func @transform_27(%arg0: i32) -> (i32, i32) {
    %c0_i32 = arith.constant 0 : i32
    %c0_i32_0 = arith.constant 0 : i32
    %c0_i32_1 = arith.constant 0 : i32
    return %c0_i32, %c0_i32_0 : i32, i32
  }
  func.func @transform_28(%arg0: i32) -> (i32, i32) {
    %c0_i32 = arith.constant 0 : i32
    %c0_i32_0 = arith.constant 0 : i32
    %c0_i32_1 = arith.constant 0 : i32
    return %c0_i32, %c0_i32_0 : i32, i32
  }
  func.func @transform_29(%arg0: i32) -> (i32, i32) {
    %c0_i32 = arith.constant 0 : i32
    %c0_i32_0 = arith.constant 0 : i32
    return %arg0, %c0_i32 : i32, i32
  }
  func.func @transform_30(%arg0: i32) -> (i32, i32) {
    %c0_i32 = arith.constant 0 : i32
    %c0_i32_0 = arith.constant 0 : i32
    return %arg0, %c0_i32 : i32, i32
  }
  func.func @transform_31(%arg0: i32) -> (i32, i32) {
    %c0_i32 = arith.constant 0 : i32
    %c0_i32_0 = arith.constant 0 : i32
    return %arg0, %c0_i32 : i32, i32
  }
}

</mosaic_0001>

<sc_bundles>
// kernel: kernel.5.cloned.1.call-start
scs
__scs_entry_jumppad:
0x0: {  	(pc) =	sbr.rel $0x88, $3  }
0x1: {  	(tag) =	ssettag $0x0;
	lr =	simm.s32 $0x1  }
0x2: {  	[smem:$0x3F86] =	sst lr;
	_ =	strace $0xD0000000  }
0x3: {  	_ = 	snop  }
0x4: {  	_ = 	snop  }
0x5: {  	_ = 	snop  }
0x6: {  	_ = 	snop  }
0x7: {  	_ = 	snop  }
__scs_overlays_trampoline_lowered:
0x8: {  	[smem:$0x3F95] =	sst s0  }
0x9: {  	[smem:$0x3F96] =	sst s1  }
0xa: {  	[smem:$0x3F97] =	sst s2  }
0xb: {  	[smem:$0x3F98] =	sst s3  }
0xc: {  	[smem:$0x3F99] =	sst s4  }
0xd: {  	[smem:$0x3F9A] =	sst s5  }
0xe: {  	[smem:$0x3F9B] =	sst s6  }
0xf: {  	[smem:$0x3F9C] =	sst s7  }
0x10: {  	[smem:$0x3F9D] =	sst s8  }
0x11: {  	[smem:$0x3F9E] =	sst s9;
	s0 =	simm.s32 @!p0 $0x0  }
0x12: {  	s1 =	sld [smem:$0x3F84];
	s0 =	simm.s32 @p0 $0x1  }
0x13: {  	[smem:$0x3F9F] =	sst s0;
	s0 =	simm.s32 @!p1 $0x0  }
0x14: {  	s2 =	sld [smem:$0x3F83];
	s0 =	simm.s32 @p1 $0x1  }
0x15: {  	[smem:$0x3FA0] =	sst s0;
	s0 =	simm.s32 @!p2 $0x0  }
0x16: {  	s3 =	sld [smem:$0x3FDB];
	s0 =	simm.s32 @p2 $0x1  }
0x17: {  	s4 =	simm.s32 $0x1BF5;
	[smem:$0x3FA2] =	sst s0  }
0x18: {  	s0 =	sld [smem:$0x3F85];
	_ =	swait.ge [sflag:s4], $0x0  }
0x19: {  	s7 =	sld [smem:$0x3F86]  }
0x1a: {  	s8 =	sadd.s32 $0xFFFFE003, lr  }
0x1b: {  	s9 =	sadd.s32 $0xFFFFFEF7, lr;
	s5 =	simm.s32 $0xFFFFFFFF;
	p2 =	slt.u32 s8, $0xFFFFF086  }
0x1c: {  	p1 =	slt.u32 s9, $0xF7A;
	s5 =	simm.s32 @!p2 $0x0  }
0x1d: {  	s5 =	simm.s32 @p1 $0x1;
	p0 =	seq.s32 s7, s2  }
0x1e: {  	s7 =	smul.u32 @!p0 $0xF7A, s2;
	p2 =	seq.s32 @!p0 s5, $0x0  }
0x1f: {  	s9 =	smul.u32 $0xF7A, s1;
	s8 =	simm.s32 @!p0 $0x1BF5;
	p2 =	por !p2, p0  }
0x20: {  	[sflag:s8] =	ssyncset.s32 @!p0 $0xFFFFF086;
	s6 =	sadd.s32 @!p0 s3, s7;
	s7 =	simm.s32 @!p0 $0x108  }
0x21: {  	s3 =	sadd.s32 s3, s9;
	s6 =	sadd.s32 @!p0 $0x88, s6;
	s7 =	simm.s32 @p2 $0x1082  }
0x22: {  	[simem:s7], [sflag:s8] =	dma.local @!p0 [hbm:s6], $0xF7A  }
0x23: {  	s9 =	sor.u32 $0xD0000000, s2;
	s6 =	simm.s32 $0x108;
	_ =	swait.ge @!p0 [sflag:s8], $0x0  }
0x24: {  	s3 =	sadd.s32 $0x88, s3;
	s6 =	simm.s32 @!p1 $0x1082;
	[sflag:s4] =	ssyncset.s32 $0xFFFFF086  }
0x25: {  	[simem:s6], [sflag:s4] =	dma.local [hbm:s3], $0xF7A  }
0x26: {  	[smem:$0x3F86] =	sst s1;
	(tag) =	ssettag s2;
	_ =	strace s9  }
0x27: {  	s1 =	sld [smem:$0x3F96]  }
0x28: {  	s2 =	sld [smem:$0x3F97]  }
0x29: {  	s4 =	sld [smem:$0x3F99]  }
0x2a: {  	p0 =	seq.s32 s5, $0x0;
	s5 =	sld [smem:$0x3F9A]  }
0x2b: {  	s6 =	sld [smem:$0x3F9B]  }
0x2c: {  	s7 =	sld [smem:$0x3F9C]  }
0x2d: {  	s3 =	simm.s32 $0x108;
	s8 =	sld [smem:$0x3F9D]  }
0x2e: {  	s3 =	simm.s32 @!p0 $0x1082;
	s9 =	sld [smem:$0x3F9E]  }
0x2f: {  	lr =	sadd.s32 s0, s3;
	s0 =	sld [smem:$0x3F95]  }
0x30: {  	s3 =	sld [smem:$0x3F98]  }
0x31: {  	[smem:$0x3FA1] =	sst s10  }
0x32: {  	s10 =	sld [smem:$0x3F9F];
	_ =	sdelay $0x3  }
0x33: {  	p0 =	seq.s32 s10, $0x1;
	s10 =	sld [smem:$0x3FA1];
	_ =	sdelay $0x3  }
0x34: {  	[smem:$0x3FA1] =	sst s10  }
0x35: {  	s10 =	sld [smem:$0x3FA0];
	_ =	sdelay $0x3  }
0x36: {  	p1 =	seq.s32 s10, $0x1;
	s10 =	sld [smem:$0x3FA1];
	_ =	sdelay $0x3  }
0x37: {  	[smem:$0x3FA1] =	sst s10  }
0x38: {  	s10 =	sld [smem:$0x3FA2]  }
0x39: {  	_ = 	snop;
	(pc) =	sbr.ind lr, $3  }
0x3a: {  	_ = 	snop  }
0x3b: {  	_ = 	snop  }
0x3c: {  	p2 =	seq.s32 s10, $0x1;
	s10 =	sld [smem:$0x3FA1]  }
0x3d: {  	_ =	shalt  }
0x3e: {  	_ =	shalt  }
0x3f: {  	_ =	shalt  }
0x40: {  	_ =	shalt  }
0x41: {  	_ =	shalt  }
0x42: {  	_ =	shalt  }
0x43: {  	_ =	shalt  }
0x44: {  	_ =	shalt  }
0x45: {  	_ =	shalt  }
0x46: {  	_ =	shalt  }
0x47: {  	_ =	shalt  }
0x48: {  	_ =	shalt  }
0x49: {  	_ =	shalt  }
0x4a: {  	_ =	shalt  }
0x4b: {  	_ =	shalt  }
0x4c: {  	_ =	shalt  }
0x4d: {  	_ =	shalt  }
0x4e: {  	_ =	shalt  }
0x4f: {  	_ =	shalt  }
0x50: {  	_ =	shalt  }
0x51: {  	_ =	shalt  }
0x52: {  	_ =	shalt  }
0x53: {  	_ =	shalt  }
0x54: {  	_ =	shalt  }
0x55: {  	_ =	shalt  }
0x56: {  	_ =	shalt  }
0x57: {  	_ =	shalt  }
0x58: {  	_ =	shalt  }
0x59: {  	_ =	shalt  }
0x5a: {  	_ =	shalt  }
0x5b: {  	_ =	shalt  }
0x5c: {  	_ =	shalt  }
0x5d: {  	_ =	shalt  }
0x5e: {  	_ =	shalt  }
0x5f: {  	_ =	shalt  }
0x60: {  	_ =	shalt  }
0x61: {  	_ =	shalt  }
0x62: {  	_ =	shalt  }
0x63: {  	_ =	shalt  }
0x64: {  	_ =	shalt  }
0x65: {  	_ =	shalt  }
0x66: {  	_ =	shalt  }
0x67: {  	_ =	shalt  }
0x68: {  	_ =	shalt  }
0x69: {  	_ =	shalt  }
0x6a: {  	_ =	shalt  }
0x6b: {  	_ =	shalt  }
0x6c: {  	_ =	shalt  }
0x6d: {  	_ =	shalt  }
0x6e: {  	_ =	shalt  }
0x6f: {  	_ =	shalt  }
0x70: {  	_ =	shalt  }
0x71: {  	_ =	shalt  }
0x72: {  	_ =	shalt  }
0x73: {  	_ =	shalt  }
0x74: {  	_ =	shalt  }
0x75: {  	_ =	shalt  }
0x76: {  	_ =	shalt  }
0x77: {  	_ =	shalt  }
0x78: {  	_ =	shalt  }
0x79: {  	_ =	shalt  }
0x7a: {  	_ =	shalt  }
0x7b: {  	_ =	shalt  }
0x7c: {  	_ =	shalt  }
0x7d: {  	_ =	shalt  }
0x7e: {  	_ =	shalt  }
0x7f: {  	_ =	shalt  }
0x80: {  	_ =	shalt  }
0x81: {  	_ =	shalt  }
0x82: {  	_ =	shalt  }
0x83: {  	_ =	shalt  }
0x84: {  	_ =	shalt  }
0x85: {  	_ =	shalt  }
0x86: {  	_ =	shalt  }
0x87: {  	_ =	shalt  }
.Lfunc_end0:
.L_simem_size_0:
called_computation_lowered:
.L_overlay_start_0:
0x88: {  	s2 =	sld [smem:$0x3FD9]  }
0x89: {  	s3 =	sld [smem:$0x3FFE];
	_ =	sdelay $0x1  }
0x8a: {  	s1 =	srdreg.scid  }
0x8b: {  	s0 =	sand.u32 $0x1, s1  }
0x8c: {  	s16 =	sshll.u32 s0, $0xA;
	s2 =	sadd.s32 s3, s2  }
0x8d: {  	s2 =	sadd.s32 s2, s16  }
0x8e: {  	[smem:$0x3FAD] =	sst s2  }
0x8f: {  	_ = 	snop  }
0x90: {  	(tm) =	ssettm $0x1  }
0x91: {  	s17 =	sld [smem:$0x3FFB];
	_ =	sdelay $0x3  }
0x92: {  	_ =	strace s17  }
0x93: {  	s2 =	sld [smem:$0x3FFC];
	_ =	sdelay $0x3  }
0x94: {  	_ =	strace s2  }
0x95: {  	s2 =	sld [smem:$0x3FFD];
	_ =	sdelay $0x3  }
0x96: {  	_ =	strace s2  }
0x97: {  	_ =	strace $0x8FFFFFFF  }
0x98: {  	s18 =	sld [smem:$0x3FDB];
	_ =	sdelay $0x1  }
0x99: {  	s19 =	simm.s32 $_scs_section_size  }
0x9a: {  	s4 =	simm.s32 $_size__tile_overlayer_lowered;
	s5 =	simm.s32 $_tile_overlayer_lowered  }
0x9b: {  	s22 =	simm.s32 $0x1BFF;
	s21 =	sshll.u32 s5, $0x1;
	s2 =	sadd.s32 s19, s18  }
0x9c: {  	s6 =	simm.s32 $0x0;
	s20 =	sshll.u32 s4, $0x1;
	s4 =	sadd.s32 s21, s2  }
0x9d: {  	[timem:s6], [sflag:s22] =	dma.local [hbm:s4], s20  }
0x9e: {  	_ =	swait.ge [sflag:s22], s20  }
0x9f: {  	s3 =	ssub.s32 $0x0, s20;
	[sflag:s22] =	ssyncset.done $0x0  }
0xa0: {  	[sflag:s22] =	ssyncadd.s32 s3;
	_ =	sdelay $0x1  }
0xa1: {  	s23 =	simm.s32 $0x1B8B  }
0xa2: {  	_ =	swait.ge [sflag:s23], $0x1  }
0xa3: {  	[sflag:s23] =	ssyncset.done $0x0  }
0xa4: {  	s25 =	simm.s32 $0x1B8E;
	s24 =	sld [smem:$0x3FFE];
	[sflag:s23] =	ssyncadd.s32 $0xFFFFFFFF  }
0xa5: {  	s26 =	simm.s32 $execute0_lowered;
	[smem:$0x3FD2] =	sst s25  }
0xa6: {  	s4 =	sshll.u32 s26, $0x1;
	_ =	strace $0x80000046;
	[dreg:$0x1] =	wrdreg $0xFFFFFFFF  }
0xa7: {  	s28 =	simm.s32 $_size_execute0_lowered;
	s2 =	sadd.s32 s2, s4;
	[dreg:$0x0] =	wrdreg $0x0  }
0xa8: {  	s4 =	sshll.u32 s28, $0x1;
	[dreg:$0x2] =	wrdreg s2  }
0xa9: {  	[dreg:$0x3] =	wrdreg s4  }
0xaa: {  	[dreg:$0x4] =	wrdreg $0xC0  }
0xab: {  	_ =	task [dreg:s6], $0x5FFFF  }
0xac: {  	[dreg:$0x1] =	wrdreg $0xFFFFFFFF  }
0xad: {  	[dreg:$0x0] =	wrdreg $0x60  }
0xae: {  	[dreg:$0x2] =	wrdreg s24  }
0xaf: {  	[dreg:$0x3] =	wrdreg $0x9  }
0xb0: {  	_ =	task.clear_ibuf [dreg:s6], $0x4FFFF;
	_ =	strace $0x90000046  }
0xb1: {  	s29 =	simm.s32 $0x9;
	_ =	strace $0x80000048  }
0xb2: {  	_ =	swait.ge [sflag:s29], $0x1  }
0xb3: {  	[sflag:s29] =	ssyncadd.s32 $0xFFFFFFFF  }
0xb4: {  	_ =	strace $0x90000048  }
0xb5: {  	_ =	sfence  }
0xb6: {  	s30 =	sld [smem:$0x0];
	_ =	sdelay $0x2  }
0xb7: {  	s31 =	sshll.u32 s1, $0xD;
	s1 =	sshrl.u32 s1, $0x2  }
0xb8: {  	s3 =	sand.u32 $0x4000, s31;
	s1 =	sadd.s32 s1, s30  }
0xb9: {  	s0 =	sor.u32 s3, s0;
	s1 =	sshll.u32 s1, $0x11  }
0xba: {  	s0 =	sor.u32 s1, s0  }
0xbb: {  	s0 =	sadd.s32 $0x8F2B, s0  }
0xbc: {  	[sflag:s0] =	ssyncadd.remote.s32 $0x1  }
0xbd: {  	_ =	sfence.sel $0xFFFF  }
0xbe: {  	[dreg:$0x0] =	wrdreg $0xFFFFFFFF;
	(pc) =	sbr.abs _section_cstart, $3  }
0xbf: {  	[dreg:$0x1] =	wrdreg $0xFFFFFFFF  }
0xc0: {  	_ =	task.clear_ibuf [dreg:s6], $0x2FFFF;
	_ =	strace $0x9FFFFFFF  }
0xc1: {  	(tm) =	ssettm $0x7FFFFFFF  }
tec
execute0_lowered:
.L_overlay_start_1:
0x0: {  	(tag) =	ssettag $0x1  }
0x1: {  	s1 =	srdreg.scid  }
0x2: {  	s0 =	stileid.u32;
	s6 =	sand.u32 $0x1, s1  }
0x3: {  	s8 =	rddreg [dreg:$0x0];
	s30 =	sshll.u32 s0, $0xC;
	s2 =	sshll.u32 s6, $0xB  }
0x4: {  	s7 =	simm.s32 $0x1;
	s1 =	rddreg [dreg:$0x1];
	s9 =	sor.u32 s2, s30  }
0x5: {  	s5 =	sadd.s32 $0xC6200, s8;
	s2 =	simm.s32 $0x0;
	s3 =	sshrl.u32 s9, $0x3  }
0x6: {  	s10 =	ssub.s32 $0x2, s6;
	[smem:$0x7FF] =	sst s2;
	s3 =	sadd.s32 s3, s8  }
0x7: {  	_ =	strace $0x80000047;
	s4 =	sadd.s32 $0x2C00, s3;
	s3 =	simm.s32 $0x2  }
0x8: {  	[tilespmem:s2], [sflag:$0x2] =	stream.linear.gather [hbm4b:s4+s2], $0x800, $0x38;
	[tilespmem:$0x10800] =	vst v63  }
0x9: {  	s6 =	simm.s32 $0x800;
	s11 =	sshrl.u32 s10, $0x1;
	_ =	swait.ge [sflag:s3], $0x800  }
0xa: {  	s9 =	sshll.u32 s9, $0x2;
	s31 =	ssub.s32 s10, s11;
	[sflag:s3] =	ssyncset.done $0x0  }
0xb: {  	s8 =	sadd.s32 s9, s8;
	s9 =	smax.u32 s31, $0x1;
	[sflag:s3] =	ssyncadd.s32 $0xFFFFF800  }
0xc: {  	[tilespmem:s6], [sflag:$0x1] =	stream.indirect.gather [hbm4b:s5+s6], $0x20, s2, s6, $0xb8;
	[tilespmem:$0x10800] =	vst v63  }
0xd: {  	p0 =	sne.s32 s9, $0x1;
	_ =	swait.ge [sflag:s7], $0x10000  }
.Ltmp0:
0xe: {  	[sflag:s7] =	ssyncset.done $0x0;
	(pc) =	sbr.rel @!p0 .LBB2_2-.Ltmp0, $4  }
0xf: {  	s8 =	sadd.s32 $0x4C00, s8;
	[sflag:s7] =	ssyncadd.s32 $0xFFFF0000  }
0x10: {  	[hbm4b:s8+s2] =	stream.linear.scatter [tilespmem:s6], [sflag:$0x2], $0x10000, $0x38;
	[tilespmem:$0x10800] =	vst v63  }
0x11: {  	_ =	swait.ge [sflag:s3], $0x10000  }
0x12: {  	s9 =	sadd.s32 $0xFFFFFFFF, s9;
	[sflag:s3] =	ssyncset.done $0x0  }
.LBB2_1:
0x13: {  	p0 =	sne.s32 s9, $0x1;
	s9 =	sadd.s32 $0xFFFFFFFF, s9;
	[sflag:s3] =	ssyncadd.s32 $0xFFFF0000  }
0x14: {  	[tilespmem:s2], [sflag:$0x2] =	stream.linear.gather [hbm4b:s4+s2], $0x800, $0x38;
	[tilespmem:$0x10800] =	vst v63  }
0x15: {  	_ =	swait.ge [sflag:s3], $0x800  }
0x16: {  	[sflag:s3] =	ssyncset.done $0x0  }
0x17: {  	[sflag:s3] =	ssyncadd.s32 $0xFFFFF800  }
0x18: {  	[tilespmem:s6], [sflag:$0x1] =	stream.indirect.gather [hbm4b:s5+s6], $0x20, s2, s6, $0xb8;
	[tilespmem:$0x10800] =	vst v63  }
0x19: {  	_ =	swait.ge [sflag:s7], $0x10000  }
.Ltmp1:
0x1a: {  	[sflag:s7] =	ssyncset.done $0x0;
	(pc) =	sbr.rel @p0 .LBB2_1-.Ltmp1, $4  }
0x1b: {  	[sflag:s7] =	ssyncadd.s32 $0xFFFF0000  }
0x1c: {  	[hbm4b:s8+s2] =	stream.linear.scatter [tilespmem:s6], [sflag:$0x2], $0x10000, $0x38;
	[tilespmem:$0x10800] =	vst v63  }
0x1d: {  	_ =	swait.ge [sflag:s3], $0x10000  }
0x1e: {  	[sflag:s3] =	ssyncset.done $0x0  }
.LBB2_2:
0x1f: {  	[sflag:s3] =	ssyncadd.s32 $0xFFFF0000  }
0x20: {  	_ =	sfence.sel $0x180000  }
0x21: {  	[bflag:$0x0] =	sbarrier.arrive $0xFFFF  }
0x22: {  	p0 =	sne.s32 s0, $0x0;
	_ =	strace $0x90000047  }
0x23: {  	s0 =	sadd.s32 @!p0 $0x100000, s1;
	[bflag:$0x2] =	sbarrier.arrive $0xFFFF  }
0x24: {  	[sflag:s0] =	ssyncadd.tile.s32 @!p0 $0x1;
	_ =	shalt  }
.Lfunc_end2:
_tile_overlayer_lowered:
.L_overlay_start_2:
0x25: {  	(tag) =	ssettag $0x2  }
0x26: {  	s0 =	rddreg [dreg:$0x0];
	s2 =	stileid.u32  }
0x27: {  	s1 =	rddreg [dreg:$0x1];
	p0 =	sne.s32 s2, $0x0  }
0x28: {  	s3 =	rddreg [dreg:$0x2];
	[bflag:$0x3] =	sbarrier.arrive $0xFFFF;
	s2 =	simm.s32 @!p0 $0x1C02  }
0x29: {  	[timem:s3], [sflag:s2] =	dma.local @!p0 [hbm:s0], s1  }
0x2a: {  	s0 =	simm.s32 @!p0 $0x2  }
0x2b: {  	_ =	swait.ge @!p0 [sflag:s0], s1  }
0x2c: {  	s1 =	ssub.s32 @!p0 $0x0, s1;
	[sflag:s0] =	ssyncset.done @!p0 $0x0  }
0x2d: {  	[sflag:s0] =	ssyncadd.s32 @!p0 s1  }
0x2e: {  	[bflag:$0x3] =	sbarrier.arrive $0xFFFF  }
0x2f: {  	_ =	shalt  }

</sc_bundles>
